<compile_context>
chip_gen: v7x
topology: tpu7x:2x2x1
jax: 0.10.2.dev20260603
libtpu: 0.0.44.dev20260713+nightly
codegen_flags: <defaults>
</compile_context>

<pallas_src>
import functools

import jax
import jax.numpy as jnp
from jax import lax
from jax.experimental import pallas as pl
from jax.experimental.pallas import tpu as pltpu
from jax.experimental.pallas import tpu_sc as plsc

D_MODEL = 64
NUM_CORES = 2
NUM_SUBCORES = 16
NUM_WORKERS = NUM_CORES * NUM_SUBCORES
CHUNK = 1024
DEPTH = 16


def kernel(x, table):
    batch, seq = x.shape
    n = batch * seq
    idx_flat = x.astype(jnp.int32).reshape(n)

    per_worker = n // NUM_WORKERS
    mesh = plsc.VectorSubcoreMesh(core_axis_name="c", subcore_axis_name="s")

    @functools.partial(
        pl.kernel,
        mesh=mesh,
        out_type=jax.ShapeDtypeStruct((n, D_MODEL), table.dtype),
        scratch_types=[
            pltpu.VMEM((CHUNK,), jnp.int32),
            pltpu.SemaphoreType.DMA,
        ],
    )
    def gather_kernel(table_hbm, idx_hbm, out_hbm, idx_v, sem):
        wid = lax.axis_index("s") * NUM_CORES + lax.axis_index("c")
        base = wid * per_worker

        def row_copy(src_row, dst_row):
            return pltpu.make_async_copy(
                table_hbm.at[pl.ds(src_row, 1)],
                out_hbm.at[pl.ds(dst_row, 1)],
                sem,
            )

        @pl.loop(0, per_worker, step=CHUNK)
        def _(off):
            pltpu.sync_copy(idx_hbm.at[pl.ds(base + off, CHUNK)], idx_v)

            @pl.loop(0, CHUNK, step=16)
            def _(i):
                v = idx_v[pl.ds(i, 16)]
                for j in range(16):
                    row_copy(v[j], base + off + i + j).start()

                @pl.when(i >= DEPTH)
                def _():
                    for _j in range(16):
                        row_copy(0, 0).wait()

            @pl.loop(0, DEPTH)
            def _(i):
                row_copy(0, 0).wait()

    out_flat = gather_kernel(table, idx_flat)
    return out_flat.reshape(batch, seq, D_MODEL)

# --- scband reference (transcript-rebuilt; emitter-appended) ---
"""Pipeline reference for scband-embedding-24026047053902 (READ-ONLY COPY).

The authoritative reference and input builder live on the scoring server;
editing this copy changes nothing except your own understanding.
"""

import jax, jax.numpy as jnp
import numpy as np

VOCAB = 1000000
D_MODEL = 64

def setup_inputs(seed: int = 0) -> dict:
    key = jax.random.key(seed)
    k1, k2 = jax.random.split(key)
    x = jax.random.randint(k1, (4096, 200), 0, VOCAB, dtype=jnp.int64) if jax.config.jax_enable_x64 else jax.random.randint(k1, (4096, 200), 0, VOCAB, dtype=jnp.int32)
    table = jax.random.normal(k2, (VOCAB, D_MODEL), dtype=jnp.float32)
    return {"x": x, "table": table}

def reference(x, table):
    # nn.Embedding forward: simple row gather from the embedding table
    return jnp.take(table, x, axis=0)

if __name__ == "__main__":
    import jax
    _d = setup_inputs()
    print(jax.jit(kernel)(*tuple(_d.values())))

</pallas_src>

<mosaic_0001>
#map = affine_map<(d0, d1) -> (0, 0)>
#map1 = affine_map<(d0, d1) -> (0)>
module attributes {stable_mosaic.version = 14 : i64} {
  func.func @gather_kernel(%arg0: i32, %arg1: i32, %arg2: memref<1000000x64xf32, #tpu.memory_space<hbm>>, %arg3: memref<819200xi32, #tpu.memory_space<hbm>>, %arg4: memref<819200x64xf32, #tpu.memory_space<hbm>>, %arg5: memref<1024xi32, #tpu.memory_space<vmem>>, %arg6: memref<!tpu.dma_semaphore, #tpu.memory_space<semaphore_mem>>) attributes {dimension_semantics = [#tpu.dimension_semantics<core_parallel>, #tpu.dimension_semantics<subcore_parallel>], iteration_bounds = array<i64: 2, 16>, scalar_prefetch = 0 : i64, scratch_operands = 2 : i64, tpu.core_type = #tpu.core_type<sc_vector_subcore>, window_params = [{transform_indices = #map}, {transform_indices = #map1}, {transform_indices = #map}]} {
    %mul3A = arith.constant 2 : i32
    %mul3A_0 = arith.muli %arg1, %mul3A : i32
    %add3A = arith.addi %mul3A_0, %arg0 : i32
    %mul3A_1 = arith.constant 25600 : i32
    %mul3A_2 = arith.muli %add3A, %mul3A_1 : i32
    %scan3A = arith.constant 0 : i32
    %scan3A_3 = arith.constant 25 : i32
    %scan3A_4 = arith.addi %scan3A, %scan3A_3 : i32
    %scan3A_5 = arith.constant 1 : i32
    scf.for %scan3A_7 = %scan3A to %scan3A_4 step %scan3A_5  : i32 {
      %mul3A_8 = arith.constant 1024 : i32
      %mul3A_9 = arith.muli %scan3A_7, %mul3A_8 : i32
      %add3A_10 = arith.constant 0 : i32
      %add3A_11 = arith.addi %add3A_10, %mul3A_9 : i32
      %add3A_12 = arith.addi %mul3A_2, %add3A_11 : i32
      "tpu.region"() ({
        %run_scoped3A = tpu.sem_alloc : memref<!tpu.dma_semaphore, #tpu.memory_space<semaphore_mem>>
        %dma_start3A = tpu.memref_slice %arg3[%add3A_12] : memref<819200xi32, #tpu.memory_space<hbm>> -> memref<1024xi32, #tpu.memory_space<hbm>>
        %dma_start3A_23 = tpu.memref_slice %arg3[%add3A_12] : memref<819200xi32, #tpu.memory_space<hbm>> -> memref<1024xi32, #tpu.memory_space<hbm>>
        tpu.enqueue_dma source(%dma_start3A_23 : memref<1024xi32, #tpu.memory_space<hbm>>) target(%arg5 : memref<1024xi32, #tpu.memory_space<vmem>>) target_semaphore(%run_scoped3A : memref<!tpu.dma_semaphore, #tpu.memory_space<semaphore_mem>>)
        %dma_wait3A = tpu.memref_slice %arg3[%add3A_12] : memref<819200xi32, #tpu.memory_space<hbm>> -> memref<1024xi32, #tpu.memory_space<hbm>>
        %dma_wait3A_24 = tpu.memref_slice %arg3[%add3A_12] : memref<819200xi32, #tpu.memory_space<hbm>> -> memref<1024xi32, #tpu.memory_space<hbm>>
        tpu.wait_dma2 semaphore(%run_scoped3A : memref<!tpu.dma_semaphore, #tpu.memory_space<semaphore_mem>>) src(%dma_wait3A_24 : memref<1024xi32, #tpu.memory_space<hbm>>) dst(%arg5 : memref<1024xi32, #tpu.memory_space<vmem>>)
        tpu.yield
      }) : () -> ()
      %scan3A_13 = arith.constant 0 : i32
      %scan3A_14 = arith.constant 64 : i32
      %scan3A_15 = arith.addi %scan3A_13, %scan3A_14 : i32
      %scan3A_16 = arith.constant 1 : i32
      scf.for %scan3A_23 = %scan3A_13 to %scan3A_15 step %scan3A_16  : i32 {
        %mul3A_24 = arith.constant 16 : i32
        %mul3A_25 = arith.muli %scan3A_23, %mul3A_24 : i32
        %add3A_26 = arith.constant 0 : i32
        %add3A_27 = arith.addi %add3A_26, %mul3A_25 : i32
        %get3A = arith.index_cast %add3A_27 : i32 to index
        %get3A_28 = tpu.vector_load %arg5[%get3A] {strides = array<i32>} : memref<1024xi32, #tpu.memory_space<vmem>>, vector<16xi32>,
        %get3A_29 = vector.shape_cast %get3A_28 : vector<16xi32> to vector<16xi32>
        %slice3A = vector.extract_strided_slice %get3A_29 {offsets = [0], sizes = [1], strides = [1]} : vector<16xi32> to vector<1xi32>
        %squeeze3A = vector.extract %slice3A[0] : i32 from vector<1xi32>
        %add3A_30 = arith.addi %mul3A_2, %add3A_11 : i32
        %add3A_31 = arith.addi %add3A_30, %add3A_27 : i32
        %add3A_32 = arith.constant 0 : i32
        %add3A_33 = arith.addi %add3A_31, %add3A_32 : i32
        %dma_start3A = arith.constant 0 : i32
        %dma_start3A_34 = tpu.memref_slice %arg4[%add3A_33, %dma_start3A] : memref<819200x64xf32, #tpu.memory_space<hbm>> -> memref<1x64xf32, #tpu.memory_space<hbm>>
        %dma_start3A_35 = arith.constant 0 : i32
        %dma_start3A_36 = tpu.memref_slice %arg2[%squeeze3A, %dma_start3A_35] : memref<1000000x64xf32, #tpu.memory_space<hbm>> -> memref<1x64xf32, #tpu.memory_space<hbm>>
        tpu.enqueue_dma source(%dma_start3A_36 : memref<1x64xf32, #tpu.memory_space<hbm>>) target(%dma_start3A_34 : memref<1x64xf32, #tpu.memory_space<hbm>>) target_semaphore(%arg6 : memref<!tpu.dma_semaphore, #tpu.memory_space<semaphore_mem>>)
        %slice3A_37 = vector.extract_strided_slice %get3A_29 {offsets = [1], sizes = [1], strides = [1]} : vector<16xi32> to vector<1xi32>
        %squeeze3A_38 = vector.extract %slice3A_37[0] : i32 from vector<1xi32>
        %add3A_39 = arith.addi %mul3A_2, %add3A_11 : i32
        %add3A_40 = arith.addi %add3A_39, %add3A_27 : i32
        %add3A_41 = arith.constant 1 : i32
        %add3A_42 = arith.addi %add3A_40, %add3A_41 : i32
        %dma_start3A_43 = arith.constant 0 : i32
        %dma_start3A_44 = tpu.memref_slice %arg4[%add3A_42, %dma_start3A_43] : memref<819200x64xf32, #tpu.memory_space<hbm>> -> memref<1x64xf32, #tpu.memory_space<hbm>>
        %dma_start3A_45 = arith.constant 0 : i32
        %dma_start3A_46 = tpu.memref_slice %arg2[%squeeze3A_38, %dma_start3A_45] : memref<1000000x64xf32, #tpu.memory_space<hbm>> -> memref<1x64xf32, #tpu.memory_space<hbm>>
        tpu.enqueue_dma source(%dma_start3A_46 : memref<1x64xf32, #tpu.memory_space<hbm>>) target(%dma_start3A_44 : memref<1x64xf32, #tpu.memory_space<hbm>>) target_semaphore(%arg6 : memref<!tpu.dma_semaphore, #tpu.memory_space<semaphore_mem>>)
        %slice3A_47 = vector.extract_strided_slice %get3A_29 {offsets = [2], sizes = [1], strides = [1]} : vector<16xi32> to vector<1xi32>
        %squeeze3A_48 = vector.extract %slice3A_47[0] : i32 from vector<1xi32>
        %add3A_49 = arith.addi %mul3A_2, %add3A_11 : i32
        %add3A_50 = arith.addi %add3A_49, %add3A_27 : i32
        %add3A_51 = arith.constant 2 : i32
        %add3A_52 = arith.addi %add3A_50, %add3A_51 : i32
        %dma_start3A_53 = arith.constant 0 : i32
        %dma_start3A_54 = tpu.memref_slice %arg4[%add3A_52, %dma_start3A_53] : memref<819200x64xf32, #tpu.memory_space<hbm>> -> memref<1x64xf32, #tpu.memory_space<hbm>>
        %dma_start3A_55 = arith.constant 0 : i32
        %dma_start3A_56 = tpu.memref_slice %arg2[%squeeze3A_48, %dma_start3A_55] : memref<1000000x64xf32, #tpu.memory_space<hbm>> -> memref<1x64xf32, #tpu.memory_space<hbm>>
        tpu.enqueue_dma source(%dma_start3A_56 : memref<1x64xf32, #tpu.memory_space<hbm>>) target(%dma_start3A_54 : memref<1x64xf32, #tpu.memory_space<hbm>>) target_semaphore(%arg6 : memref<!tpu.dma_semaphore, #tpu.memory_space<semaphore_mem>>)
        %slice3A_57 = vector.extract_strided_slice %get3A_29 {offsets = [3], sizes = [1], strides = [1]} : vector<16xi32> to vector<1xi32>
        %squeeze3A_58 = vector.extract %slice3A_57[0] : i32 from vector<1xi32>
        %add3A_59 = arith.addi %mul3A_2, %add3A_11 : i32
        %add3A_60 = arith.addi %add3A_59, %add3A_27 : i32
        %add3A_61 = arith.constant 3 : i32
        %add3A_62 = arith.addi %add3A_60, %add3A_61 : i32
        %dma_start3A_63 = arith.constant 0 : i32
        %dma_start3A_64 = tpu.memref_slice %arg4[%add3A_62, %dma_start3A_63] : memref<819200x64xf32, #tpu.memory_space<hbm>> -> memref<1x64xf32, #tpu.memory_space<hbm>>
        %dma_start3A_65 = arith.constant 0 : i32
        %dma_start3A_66 = tpu.memref_slice %arg2[%squeeze3A_58, %dma_start3A_65] : memref<1000000x64xf32, #tpu.memory_space<hbm>> -> memref<1x64xf32, #tpu.memory_space<hbm>>
        tpu.enqueue_dma source(%dma_start3A_66 : memref<1x64xf32, #tpu.memory_space<hbm>>) target(%dma_start3A_64 : memref<1x64xf32, #tpu.memory_space<hbm>>) target_semaphore(%arg6 : memref<!tpu.dma_semaphore, #tpu.memory_space<semaphore_mem>>)
        %slice3A_67 = vector.extract_strided_slice %get3A_29 {offsets = [4], sizes = [1], strides = [1]} : vector<16xi32> to vector<1xi32>
        %squeeze3A_68 = vector.extract %slice3A_67[0] : i32 from vector<1xi32>
        %add3A_69 = arith.addi %mul3A_2, %add3A_11 : i32
        %add3A_70 = arith.addi %add3A_69, %add3A_27 : i32
        %add3A_71 = arith.constant 4 : i32
        %add3A_72 = arith.addi %add3A_70, %add3A_71 : i32
        %dma_start3A_73 = arith.constant 0 : i32
        %dma_start3A_74 = tpu.memref_slice %arg4[%add3A_72, %dma_start3A_73] : memref<819200x64xf32, #tpu.memory_space<hbm>> -> memref<1x64xf32, #tpu.memory_space<hbm>>
        %dma_start3A_75 = arith.constant 0 : i32
        %dma_start3A_76 = tpu.memref_slice %arg2[%squeeze3A_68, %dma_start3A_75] : memref<1000000x64xf32, #tpu.memory_space<hbm>> -> memref<1x64xf32, #tpu.memory_space<hbm>>
        tpu.enqueue_dma source(%dma_start3A_76 : memref<1x64xf32, #tpu.memory_space<hbm>>) target(%dma_start3A_74 : memref<1x64xf32, #tpu.memory_space<hbm>>) target_semaphore(%arg6 : memref<!tpu.dma_semaphore, #tpu.memory_space<semaphore_mem>>)
        %slice3A_77 = vector.extract_strided_slice %get3A_29 {offsets = [5], sizes = [1], strides = [1]} : vector<16xi32> to vector<1xi32>
        %squeeze3A_78 = vector.extract %slice3A_77[0] : i32 from vector<1xi32>
        %add3A_79 = arith.addi %mul3A_2, %add3A_11 : i32
        %add3A_80 = arith.addi %add3A_79, %add3A_27 : i32
        %add3A_81 = arith.constant 5 : i32
        %add3A_82 = arith.addi %add3A_80, %add3A_81 : i32
        %dma_start3A_83 = arith.constant 0 : i32
        %dma_start3A_84 = tpu.memref_slice %arg4[%add3A_82, %dma_start3A_83] : memref<819200x64xf32, #tpu.memory_space<hbm>> -> memref<1x64xf32, #tpu.memory_space<hbm>>
        %dma_start3A_85 = arith.constant 0 : i32
        %dma_start3A_86 = tpu.memref_slice %arg2[%squeeze3A_78, %dma_start3A_85] : memref<1000000x64xf32, #tpu.memory_space<hbm>> -> memref<1x64xf32, #tpu.memory_space<hbm>>
        tpu.enqueue_dma source(%dma_start3A_86 : memref<1x64xf32, #tpu.memory_space<hbm>>) target(%dma_start3A_84 : memref<1x64xf32, #tpu.memory_space<hbm>>) target_semaphore(%arg6 : memref<!tpu.dma_semaphore, #tpu.memory_space<semaphore_mem>>)
        %slice3A_87 = vector.extract_strided_slice %get3A_29 {offsets = [6], sizes = [1], strides = [1]} : vector<16xi32> to vector<1xi32>
        %squeeze3A_88 = vector.extract %slice3A_87[0] : i32 from vector<1xi32>
        %add3A_89 = arith.addi %mul3A_2, %add3A_11 : i32
        %add3A_90 = arith.addi %add3A_89, %add3A_27 : i32
        %add3A_91 = arith.constant 6 : i32
        %add3A_92 = arith.addi %add3A_90, %add3A_91 : i32
        %dma_start3A_93 = arith.constant 0 : i32
        %dma_start3A_94 = tpu.memref_slice %arg4[%add3A_92, %dma_start3A_93] : memref<819200x64xf32, #tpu.memory_space<hbm>> -> memref<1x64xf32, #tpu.memory_space<hbm>>
        %dma_start3A_95 = arith.constant 0 : i32
        %dma_start3A_96 = tpu.memref_slice %arg2[%squeeze3A_88, %dma_start3A_95] : memref<1000000x64xf32, #tpu.memory_space<hbm>> -> memref<1x64xf32, #tpu.memory_space<hbm>>
        tpu.enqueue_dma source(%dma_start3A_96 : memref<1x64xf32, #tpu.memory_space<hbm>>) target(%dma_start3A_94 : memref<1x64xf32, #tpu.memory_space<hbm>>) target_semaphore(%arg6 : memref<!tpu.dma_semaphore, #tpu.memory_space<semaphore_mem>>)
        %slice3A_97 = vector.extract_strided_slice %get3A_29 {offsets = [7], sizes = [1], strides = [1]} : vector<16xi32> to vector<1xi32>
        %squeeze3A_98 = vector.extract %slice3A_97[0] : i32 from vector<1xi32>
        %add3A_99 = arith.addi %mul3A_2, %add3A_11 : i32
        %add3A_100 = arith.addi %add3A_99, %add3A_27 : i32
        %add3A_101 = arith.constant 7 : i32
        %add3A_102 = arith.addi %add3A_100, %add3A_101 : i32
        %dma_start3A_103 = arith.constant 0 : i32
        %dma_start3A_104 = tpu.memref_slice %arg4[%add3A_102, %dma_start3A_103] : memref<819200x64xf32, #tpu.memory_space<hbm>> -> memref<1x64xf32, #tpu.memory_space<hbm>>
        %dma_start3A_105 = arith.constant 0 : i32
        %dma_start3A_106 = tpu.memref_slice %arg2[%squeeze3A_98, %dma_start3A_105] : memref<1000000x64xf32, #tpu.memory_space<hbm>> -> memref<1x64xf32, #tpu.memory_space<hbm>>
        tpu.enqueue_dma source(%dma_start3A_106 : memref<1x64xf32, #tpu.memory_space<hbm>>) target(%dma_start3A_104 : memref<1x64xf32, #tpu.memory_space<hbm>>) target_semaphore(%arg6 : memref<!tpu.dma_semaphore, #tpu.memory_space<semaphore_mem>>)
        %slice3A_107 = vector.extract_strided_slice %get3A_29 {offsets = [8], sizes = [1], strides = [1]} : vector<16xi32> to vector<1xi32>
        %squeeze3A_108 = vector.extract %slice3A_107[0] : i32 from vector<1xi32>
        %add3A_109 = arith.addi %mul3A_2, %add3A_11 : i32
        %add3A_110 = arith.addi %add3A_109, %add3A_27 : i32
        %add3A_111 = arith.constant 8 : i32
        %add3A_112 = arith.addi %add3A_110, %add3A_111 : i32
        %dma_start3A_113 = arith.constant 0 : i32
        %dma_start3A_114 = tpu.memref_slice %arg4[%add3A_112, %dma_start3A_113] : memref<819200x64xf32, #tpu.memory_space<hbm>> -> memref<1x64xf32, #tpu.memory_space<hbm>>
        %dma_start3A_115 = arith.constant 0 : i32
        %dma_start3A_116 = tpu.memref_slice %arg2[%squeeze3A_108, %dma_start3A_115] : memref<1000000x64xf32, #tpu.memory_space<hbm>> -> memref<1x64xf32, #tpu.memory_space<hbm>>
        tpu.enqueue_dma source(%dma_start3A_116 : memref<1x64xf32, #tpu.memory_space<hbm>>) target(%dma_start3A_114 : memref<1x64xf32, #tpu.memory_space<hbm>>) target_semaphore(%arg6 : memref<!tpu.dma_semaphore, #tpu.memory_space<semaphore_mem>>)
        %slice3A_117 = vector.extract_strided_slice %get3A_29 {offsets = [9], sizes = [1], strides = [1]} : vector<16xi32> to vector<1xi32>
        %squeeze3A_118 = vector.extract %slice3A_117[0] : i32 from vector<1xi32>
        %add3A_119 = arith.addi %mul3A_2, %add3A_11 : i32
        %add3A_120 = arith.addi %add3A_119, %add3A_27 : i32
        %add3A_121 = arith.constant 9 : i32
        %add3A_122 = arith.addi %add3A_120, %add3A_121 : i32
        %dma_start3A_123 = arith.constant 0 : i32
        %dma_start3A_124 = tpu.memref_slice %arg4[%add3A_122, %dma_start3A_123] : memref<819200x64xf32, #tpu.memory_space<hbm>> -> memref<1x64xf32, #tpu.memory_space<hbm>>
        %dma_start3A_125 = arith.constant 0 : i32
        %dma_start3A_126 = tpu.memref_slice %arg2[%squeeze3A_118, %dma_start3A_125] : memref<1000000x64xf32, #tpu.memory_space<hbm>> -> memref<1x64xf32, #tpu.memory_space<hbm>>
        tpu.enqueue_dma source(%dma_start3A_126 : memref<1x64xf32, #tpu.memory_space<hbm>>) target(%dma_start3A_124 : memref<1x64xf32, #tpu.memory_space<hbm>>) target_semaphore(%arg6 : memref<!tpu.dma_semaphore, #tpu.memory_space<semaphore_mem>>)
        %slice3A_127 = vector.extract_strided_slice %get3A_29 {offsets = [10], sizes = [1], strides = [1]} : vector<16xi32> to vector<1xi32>
        %squeeze3A_128 = vector.extract %slice3A_127[0] : i32 from vector<1xi32>
        %add3A_129 = arith.addi %mul3A_2, %add3A_11 : i32
        %add3A_130 = arith.addi %add3A_129, %add3A_27 : i32
        %add3A_131 = arith.constant 10 : i32
        %add3A_132 = arith.addi %add3A_130, %add3A_131 : i32
        %dma_start3A_133 = arith.constant 0 : i32
        %dma_start3A_134 = tpu.memref_slice %arg4[%add3A_132, %dma_start3A_133] : memref<819200x64xf32, #tpu.memory_space<hbm>> -> memref<1x64xf32, #tpu.memory_space<hbm>>
        %dma_start3A_135 = arith.constant 0 : i32
        %dma_start3A_136 = tpu.memref_slice %arg2[%squeeze3A_128, %dma_start3A_135] : memref<1000000x64xf32, #tpu.memory_space<hbm>> -> memref<1x64xf32, #tpu.memory_space<hbm>>
        tpu.enqueue_dma source(%dma_start3A_136 : memref<1x64xf32, #tpu.memory_space<hbm>>) target(%dma_start3A_134 : memref<1x64xf32, #tpu.memory_space<hbm>>) target_semaphore(%arg6 : memref<!tpu.dma_semaphore, #tpu.memory_space<semaphore_mem>>)
        %slice3A_137 = vector.extract_strided_slice %get3A_29 {offsets = [11], sizes = [1], strides = [1]} : vector<16xi32> to vector<1xi32>
        %squeeze3A_138 = vector.extract %slice3A_137[0] : i32 from vector<1xi32>
        %add3A_139 = arith.addi %mul3A_2, %add3A_11 : i32
        %add3A_140 = arith.addi %add3A_139, %add3A_27 : i32
        %add3A_141 = arith.constant 11 : i32
        %add3A_142 = arith.addi %add3A_140, %add3A_141 : i32
        %dma_start3A_143 = arith.constant 0 : i32
        %dma_start3A_144 = tpu.memref_slice %arg4[%add3A_142, %dma_start3A_143] : memref<819200x64xf32, #tpu.memory_space<hbm>> -> memref<1x64xf32, #tpu.memory_space<hbm>>
        %dma_start3A_145 = arith.constant 0 : i32
        %dma_start3A_146 = tpu.memref_slice %arg2[%squeeze3A_138, %dma_start3A_145] : memref<1000000x64xf32, #tpu.memory_space<hbm>> -> memref<1x64xf32, #tpu.memory_space<hbm>>
        tpu.enqueue_dma source(%dma_start3A_146 : memref<1x64xf32, #tpu.memory_space<hbm>>) target(%dma_start3A_144 : memref<1x64xf32, #tpu.memory_space<hbm>>) target_semaphore(%arg6 : memref<!tpu.dma_semaphore, #tpu.memory_space<semaphore_mem>>)
        %slice3A_147 = vector.extract_strided_slice %get3A_29 {offsets = [12], sizes = [1], strides = [1]} : vector<16xi32> to vector<1xi32>
        %squeeze3A_148 = vector.extract %slice3A_147[0] : i32 from vector<1xi32>
        %add3A_149 = arith.addi %mul3A_2, %add3A_11 : i32
        %add3A_150 = arith.addi %add3A_149, %add3A_27 : i32
        %add3A_151 = arith.constant 12 : i32
        %add3A_152 = arith.addi %add3A_150, %add3A_151 : i32
        %dma_start3A_153 = arith.constant 0 : i32
        %dma_start3A_154 = tpu.memref_slice %arg4[%add3A_152, %dma_start3A_153] : memref<819200x64xf32, #tpu.memory_space<hbm>> -> memref<1x64xf32, #tpu.memory_space<hbm>>
        %dma_start3A_155 = arith.constant 0 : i32
        %dma_start3A_156 = tpu.memref_slice %arg2[%squeeze3A_148, %dma_start3A_155] : memref<1000000x64xf32, #tpu.memory_space<hbm>> -> memref<1x64xf32, #tpu.memory_space<hbm>>
        tpu.enqueue_dma source(%dma_start3A_156 : memref<1x64xf32, #tpu.memory_space<hbm>>) target(%dma_start3A_154 : memref<1x64xf32, #tpu.memory_space<hbm>>) target_semaphore(%arg6 : memref<!tpu.dma_semaphore, #tpu.memory_space<semaphore_mem>>)
        %slice3A_157 = vector.extract_strided_slice %get3A_29 {offsets = [13], sizes = [1], strides = [1]} : vector<16xi32> to vector<1xi32>
        %squeeze3A_158 = vector.extract %slice3A_157[0] : i32 from vector<1xi32>
        %add3A_159 = arith.addi %mul3A_2, %add3A_11 : i32
        %add3A_160 = arith.addi %add3A_159, %add3A_27 : i32
        %add3A_161 = arith.constant 13 : i32
        %add3A_162 = arith.addi %add3A_160, %add3A_161 : i32
        %dma_start3A_163 = arith.constant 0 : i32
        %dma_start3A_164 = tpu.memref_slice %arg4[%add3A_162, %dma_start3A_163] : memref<819200x64xf32, #tpu.memory_space<hbm>> -> memref<1x64xf32, #tpu.memory_space<hbm>>
        %dma_start3A_165 = arith.constant 0 : i32
        %dma_start3A_166 = tpu.memref_slice %arg2[%squeeze3A_158, %dma_start3A_165] : memref<1000000x64xf32, #tpu.memory_space<hbm>> -> memref<1x64xf32, #tpu.memory_space<hbm>>
        tpu.enqueue_dma source(%dma_start3A_166 : memref<1x64xf32, #tpu.memory_space<hbm>>) target(%dma_start3A_164 : memref<1x64xf32, #tpu.memory_space<hbm>>) target_semaphore(%arg6 : memref<!tpu.dma_semaphore, #tpu.memory_space<semaphore_mem>>)
        %slice3A_167 = vector.extract_strided_slice %get3A_29 {offsets = [14], sizes = [1], strides = [1]} : vector<16xi32> to vector<1xi32>
        %squeeze3A_168 = vector.extract %slice3A_167[0] : i32 from vector<1xi32>
        %add3A_169 = arith.addi %mul3A_2, %add3A_11 : i32
        %add3A_170 = arith.addi %add3A_169, %add3A_27 : i32
        %add3A_171 = arith.constant 14 : i32
        %add3A_172 = arith.addi %add3A_170, %add3A_171 : i32
        %dma_start3A_173 = arith.constant 0 : i32
        %dma_start3A_174 = tpu.memref_slice %arg4[%add3A_172, %dma_start3A_173] : memref<819200x64xf32, #tpu.memory_space<hbm>> -> memref<1x64xf32, #tpu.memory_space<hbm>>
        %dma_start3A_175 = arith.constant 0 : i32
        %dma_start3A_176 = tpu.memref_slice %arg2[%squeeze3A_168, %dma_start3A_175] : memref<1000000x64xf32, #tpu.memory_space<hbm>> -> memref<1x64xf32, #tpu.memory_space<hbm>>
        tpu.enqueue_dma source(%dma_start3A_176 : memref<1x64xf32, #tpu.memory_space<hbm>>) target(%dma_start3A_174 : memref<1x64xf32, #tpu.memory_space<hbm>>) target_semaphore(%arg6 : memref<!tpu.dma_semaphore, #tpu.memory_space<semaphore_mem>>)
        %slice3A_177 = vector.extract_strided_slice %get3A_29 {offsets = [15], sizes = [1], strides = [1]} : vector<16xi32> to vector<1xi32>
        %squeeze3A_178 = vector.extract %slice3A_177[0] : i32 from vector<1xi32>
        %add3A_179 = arith.addi %mul3A_2, %add3A_11 : i32
        %add3A_180 = arith.addi %add3A_179, %add3A_27 : i32
        %add3A_181 = arith.constant 15 : i32
        %add3A_182 = arith.addi %add3A_180, %add3A_181 : i32
        %dma_start3A_183 = arith.constant 0 : i32
        %dma_start3A_184 = tpu.memref_slice %arg4[%add3A_182, %dma_start3A_183] : memref<819200x64xf32, #tpu.memory_space<hbm>> -> memref<1x64xf32, #tpu.memory_space<hbm>>
        %dma_start3A_185 = arith.constant 0 : i32
        %dma_start3A_186 = tpu.memref_slice %arg2[%squeeze3A_178, %dma_start3A_185] : memref<1000000x64xf32, #tpu.memory_space<hbm>> -> memref<1x64xf32, #tpu.memory_space<hbm>>
        tpu.enqueue_dma source(%dma_start3A_186 : memref<1x64xf32, #tpu.memory_space<hbm>>) target(%dma_start3A_184 : memref<1x64xf32, #tpu.memory_space<hbm>>) target_semaphore(%arg6 : memref<!tpu.dma_semaphore, #tpu.memory_space<semaphore_mem>>)
        %ge3A = arith.constant 16 : i32
        %ge3A_187 = arith.cmpi sge, %add3A_27, %ge3A : i32
        %convert_element_type3A = arith.extui %ge3A_187 : i1 to i32
        %cond3A = arith.constant 0 : i32
        %cond3A_188 = arith.cmpi ne, %convert_element_type3A, %cond3A : i32
        scf.if %cond3A_188 {
          %dma_wait3A = arith.constant 0 : i32
          %dma_wait3A_189 = arith.constant 0 : i32
          %dma_wait3A_190 = tpu.memref_slice %arg4[%dma_wait3A, %dma_wait3A_189] : memref<819200x64xf32, #tpu.memory_space<hbm>> -> memref<1x64xf32, #tpu.memory_space<hbm>>
          %dma_wait3A_191 = arith.constant 0 : i32
          %dma_wait3A_192 = arith.constant 0 : i32
          %dma_wait3A_193 = tpu.memref_slice %arg2[%dma_wait3A_191, %dma_wait3A_192] : memref<1000000x64xf32, #tpu.memory_space<hbm>> -> memref<1x64xf32, #tpu.memory_space<hbm>>
          tpu.wait_dma2 semaphore(%arg6 : memref<!tpu.dma_semaphore, #tpu.memory_space<semaphore_mem>>) src(%dma_wait3A_193 : memref<1x64xf32, #tpu.memory_space<hbm>>) dst(%dma_wait3A_190 : memref<1x64xf32, #tpu.memory_space<hbm>>)
          %dma_wait3A_194 = arith.constant 0 : i32
          %dma_wait3A_195 = arith.constant 0 : i32
          %dma_wait3A_196 = tpu.memref_slice %arg4[%dma_wait3A_194, %dma_wait3A_195] : memref<819200x64xf32, #tpu.memory_space<hbm>> -> memref<1x64xf32, #tpu.memory_space<hbm>>
          %dma_wait3A_197 = arith.constant 0 : i32
          %dma_wait3A_198 = arith.constant 0 : i32
          %dma_wait3A_199 = tpu.memref_slice %arg2[%dma_wait3A_197, %dma_wait3A_198] : memref<1000000x64xf32, #tpu.memory_space<hbm>> -> memref<1x64xf32, #tpu.memory_space<hbm>>
          tpu.wait_dma2 semaphore(%arg6 : memref<!tpu.dma_semaphore, #tpu.memory_space<semaphore_mem>>) src(%dma_wait3A_199 : memref<1x64xf32, #tpu.memory_space<hbm>>) dst(%dma_wait3A_196 : memref<1x64xf32, #tpu.memory_space<hbm>>)
          %dma_wait3A_200 = arith.constant 0 : i32
          %dma_wait3A_201 = arith.constant 0 : i32
          %dma_wait3A_202 = tpu.memref_slice %arg4[%dma_wait3A_200, %dma_wait3A_201] : memref<819200x64xf32, #tpu.memory_space<hbm>> -> memref<1x64xf32, #tpu.memory_space<hbm>>
          %dma_wait3A_203 = arith.constant 0 : i32
          %dma_wait3A_204 = arith.constant 0 : i32
          %dma_wait3A_205 = tpu.memref_slice %arg2[%dma_wait3A_203, %dma_wait3A_204] : memref<1000000x64xf32, #tpu.memory_space<hbm>> -> memref<1x64xf32, #tpu.memory_space<hbm>>
          tpu.wait_dma2 semaphore(%arg6 : memref<!tpu.dma_semaphore, #tpu.memory_space<semaphore_mem>>) src(%dma_wait3A_205 : memref<1x64xf32, #tpu.memory_space<hbm>>) dst(%dma_wait3A_202 : memref<1x64xf32, #tpu.memory_space<hbm>>)
          %dma_wait3A_206 = arith.constant 0 : i32
          %dma_wait3A_207 = arith.constant 0 : i32
          %dma_wait3A_208 = tpu.memref_slice %arg4[%dma_wait3A_206, %dma_wait3A_207] : memref<819200x64xf32, #tpu.memory_space<hbm>> -> memref<1x64xf32, #tpu.memory_space<hbm>>
          %dma_wait3A_209 = arith.constant 0 : i32
          %dma_wait3A_210 = arith.constant 0 : i32
          %dma_wait3A_211 = tpu.memref_slice %arg2[%dma_wait3A_209, %dma_wait3A_210] : memref<1000000x64xf32, #tpu.memory_space<hbm>> -> memref<1x64xf32, #tpu.memory_space<hbm>>
          tpu.wait_dma2 semaphore(%arg6 : memref<!tpu.dma_semaphore, #tpu.memory_space<semaphore_mem>>) src(%dma_wait3A_211 : memref<1x64xf32, #tpu.memory_space<hbm>>) dst(%dma_wait3A_208 : memref<1x64xf32, #tpu.memory_space<hbm>>)
          %dma_wait3A_212 = arith.constant 0 : i32
          %dma_wait3A_213 = arith.constant 0 : i32
          %dma_wait3A_214 = tpu.memref_slice %arg4[%dma_wait3A_212, %dma_wait3A_213] : memref<819200x64xf32, #tpu.memory_space<hbm>> -> memref<1x64xf32, #tpu.memory_space<hbm>>
          %dma_wait3A_215 = arith.constant 0 : i32
          %dma_wait3A_216 = arith.constant 0 : i32
          %dma_wait3A_217 = tpu.memref_slice %arg2[%dma_wait3A_215, %dma_wait3A_216] : memref<1000000x64xf32, #tpu.memory_space<hbm>> -> memref<1x64xf32, #tpu.memory_space<hbm>>
          tpu.wait_dma2 semaphore(%arg6 : memref<!tpu.dma_semaphore, #tpu.memory_space<semaphore_mem>>) src(%dma_wait3A_217 : memref<1x64xf32, #tpu.memory_space<hbm>>) dst(%dma_wait3A_214 : memref<1x64xf32, #tpu.memory_space<hbm>>)
          %dma_wait3A_218 = arith.constant 0 : i32
          %dma_wait3A_219 = arith.constant 0 : i32
          %dma_wait3A_220 = tpu.memref_slice %arg4[%dma_wait3A_218, %dma_wait3A_219] : memref<819200x64xf32, #tpu.memory_space<hbm>> -> memref<1x64xf32, #tpu.memory_space<hbm>>
          %dma_wait3A_221 = arith.constant 0 : i32
          %dma_wait3A_222 = arith.constant 0 : i32
          %dma_wait3A_223 = tpu.memref_slice %arg2[%dma_wait3A_221, %dma_wait3A_222] : memref<1000000x64xf32, #tpu.memory_space<hbm>> -> memref<1x64xf32, #tpu.memory_space<hbm>>
          tpu.wait_dma2 semaphore(%arg6 : memref<!tpu.dma_semaphore, #tpu.memory_space<semaphore_mem>>) src(%dma_wait3A_223 : memref<1x64xf32, #tpu.memory_space<hbm>>) dst(%dma_wait3A_220 : memref<1x64xf32, #tpu.memory_space<hbm>>)
          %dma_wait3A_224 = arith.constant 0 : i32
          %dma_wait3A_225 = arith.constant 0 : i32
          %dma_wait3A_226 = tpu.memref_slice %arg4[%dma_wait3A_224, %dma_wait3A_225] : memref<819200x64xf32, #tpu.memory_space<hbm>> -> memref<1x64xf32, #tpu.memory_space<hbm>>
          %dma_wait3A_227 = arith.constant 0 : i32
          %dma_wait3A_228 = arith.constant 0 : i32
          %dma_wait3A_229 = tpu.memref_slice %arg2[%dma_wait3A_227, %dma_wait3A_228] : memref<1000000x64xf32, #tpu.memory_space<hbm>> -> memref<1x64xf32, #tpu.memory_space<hbm>>
          tpu.wait_dma2 semaphore(%arg6 : memref<!tpu.dma_semaphore, #tpu.memory_space<semaphore_mem>>) src(%dma_wait3A_229 : memref<1x64xf32, #tpu.memory_space<hbm>>) dst(%dma_wait3A_226 : memref<1x64xf32, #tpu.memory_space<hbm>>)
          %dma_wait3A_230 = arith.constant 0 : i32
          %dma_wait3A_231 = arith.constant 0 : i32
          %dma_wait3A_232 = tpu.memref_slice %arg4[%dma_wait3A_230, %dma_wait3A_231] : memref<819200x64xf32, #tpu.memory_space<hbm>> -> memref<1x64xf32, #tpu.memory_space<hbm>>
          %dma_wait3A_233 = arith.constant 0 : i32
          %dma_wait3A_234 = arith.constant 0 : i32
          %dma_wait3A_235 = tpu.memref_slice %arg2[%dma_wait3A_233, %dma_wait3A_234] : memref<1000000x64xf32, #tpu.memory_space<hbm>> -> memref<1x64xf32, #tpu.memory_space<hbm>>
          tpu.wait_dma2 semaphore(%arg6 : memref<!tpu.dma_semaphore, #tpu.memory_space<semaphore_mem>>) src(%dma_wait3A_235 : memref<1x64xf32, #tpu.memory_space<hbm>>) dst(%dma_wait3A_232 : memref<1x64xf32, #tpu.memory_space<hbm>>)
          %dma_wait3A_236 = arith.constant 0 : i32
          %dma_wait3A_237 = arith.constant 0 : i32
          %dma_wait3A_238 = tpu.memref_slice %arg4[%dma_wait3A_236, %dma_wait3A_237] : memref<819200x64xf32, #tpu.memory_space<hbm>> -> memref<1x64xf32, #tpu.memory_space<hbm>>
          %dma_wait3A_239 = arith.constant 0 : i32
          %dma_wait3A_240 = arith.constant 0 : i32
          %dma_wait3A_241 = tpu.memref_slice %arg2[%dma_wait3A_239, %dma_wait3A_240] : memref<1000000x64xf32, #tpu.memory_space<hbm>> -> memref<1x64xf32, #tpu.memory_space<hbm>>
          tpu.wait_dma2 semaphore(%arg6 : memref<!tpu.dma_semaphore, #tpu.memory_space<semaphore_mem>>) src(%dma_wait3A_241 : memref<1x64xf32, #tpu.memory_space<hbm>>) dst(%dma_wait3A_238 : memref<1x64xf32, #tpu.memory_space<hbm>>)
          %dma_wait3A_242 = arith.constant 0 : i32
          %dma_wait3A_243 = arith.constant 0 : i32
          %dma_wait3A_244 = tpu.memref_slice %arg4[%dma_wait3A_242, %dma_wait3A_243] : memref<819200x64xf32, #tpu.memory_space<hbm>> -> memref<1x64xf32, #tpu.memory_space<hbm>>
          %dma_wait3A_245 = arith.constant 0 : i32
          %dma_wait3A_246 = arith.constant 0 : i32
          %dma_wait3A_247 = tpu.memref_slice %arg2[%dma_wait3A_245, %dma_wait3A_246] : memref<1000000x64xf32, #tpu.memory_space<hbm>> -> memref<1x64xf32, #tpu.memory_space<hbm>>
          tpu.wait_dma2 semaphore(%arg6 : memref<!tpu.dma_semaphore, #tpu.memory_space<semaphore_mem>>) src(%dma_wait3A_247 : memref<1x64xf32, #tpu.memory_space<hbm>>) dst(%dma_wait3A_244 : memref<1x64xf32, #tpu.memory_space<hbm>>)
          %dma_wait3A_248 = arith.constant 0 : i32
          %dma_wait3A_249 = arith.constant 0 : i32
          %dma_wait3A_250 = tpu.memref_slice %arg4[%dma_wait3A_248, %dma_wait3A_249] : memref<819200x64xf32, #tpu.memory_space<hbm>> -> memref<1x64xf32, #tpu.memory_space<hbm>>
          %dma_wait3A_251 = arith.constant 0 : i32
          %dma_wait3A_252 = arith.constant 0 : i32
          %dma_wait3A_253 = tpu.memref_slice %arg2[%dma_wait3A_251, %dma_wait3A_252] : memref<1000000x64xf32, #tpu.memory_space<hbm>> -> memref<1x64xf32, #tpu.memory_space<hbm>>
          tpu.wait_dma2 semaphore(%arg6 : memref<!tpu.dma_semaphore, #tpu.memory_space<semaphore_mem>>) src(%dma_wait3A_253 : memref<1x64xf32, #tpu.memory_space<hbm>>) dst(%dma_wait3A_250 : memref<1x64xf32, #tpu.memory_space<hbm>>)
          %dma_wait3A_254 = arith.constant 0 : i32
          %dma_wait3A_255 = arith.constant 0 : i32
          %dma_wait3A_256 = tpu.memref_slice %arg4[%dma_wait3A_254, %dma_wait3A_255] : memref<819200x64xf32, #tpu.memory_space<hbm>> -> memref<1x64xf32, #tpu.memory_space<hbm>>
          %dma_wait3A_257 = arith.constant 0 : i32
          %dma_wait3A_258 = arith.constant 0 : i32
          %dma_wait3A_259 = tpu.memref_slice %arg2[%dma_wait3A_257, %dma_wait3A_258] : memref<1000000x64xf32, #tpu.memory_space<hbm>> -> memref<1x64xf32, #tpu.memory_space<hbm>>
          tpu.wait_dma2 semaphore(%arg6 : memref<!tpu.dma_semaphore, #tpu.memory_space<semaphore_mem>>) src(%dma_wait3A_259 : memref<1x64xf32, #tpu.memory_space<hbm>>) dst(%dma_wait3A_256 : memref<1x64xf32, #tpu.memory_space<hbm>>)
          %dma_wait3A_260 = arith.constant 0 : i32
          %dma_wait3A_261 = arith.constant 0 : i32
          %dma_wait3A_262 = tpu.memref_slice %arg4[%dma_wait3A_260, %dma_wait3A_261] : memref<819200x64xf32, #tpu.memory_space<hbm>> -> memref<1x64xf32, #tpu.memory_space<hbm>>
          %dma_wait3A_263 = arith.constant 0 : i32
          %dma_wait3A_264 = arith.constant 0 : i32
          %dma_wait3A_265 = tpu.memref_slice %arg2[%dma_wait3A_263, %dma_wait3A_264] : memref<1000000x64xf32, #tpu.memory_space<hbm>> -> memref<1x64xf32, #tpu.memory_space<hbm>>
          tpu.wait_dma2 semaphore(%arg6 : memref<!tpu.dma_semaphore, #tpu.memory_space<semaphore_mem>>) src(%dma_wait3A_265 : memref<1x64xf32, #tpu.memory_space<hbm>>) dst(%dma_wait3A_262 : memref<1x64xf32, #tpu.memory_space<hbm>>)
          %dma_wait3A_266 = arith.constant 0 : i32
          %dma_wait3A_267 = arith.constant 0 : i32
          %dma_wait3A_268 = tpu.memref_slice %arg4[%dma_wait3A_266, %dma_wait3A_267] : memref<819200x64xf32, #tpu.memory_space<hbm>> -> memref<1x64xf32, #tpu.memory_space<hbm>>
          %dma_wait3A_269 = arith.constant 0 : i32
          %dma_wait3A_270 = arith.constant 0 : i32
          %dma_wait3A_271 = tpu.memref_slice %arg2[%dma_wait3A_269, %dma_wait3A_270] : memref<1000000x64xf32, #tpu.memory_space<hbm>> -> memref<1x64xf32, #tpu.memory_space<hbm>>
          tpu.wait_dma2 semaphore(%arg6 : memref<!tpu.dma_semaphore, #tpu.memory_space<semaphore_mem>>) src(%dma_wait3A_271 : memref<1x64xf32, #tpu.memory_space<hbm>>) dst(%dma_wait3A_268 : memref<1x64xf32, #tpu.memory_space<hbm>>)
          %dma_wait3A_272 = arith.constant 0 : i32
          %dma_wait3A_273 = arith.constant 0 : i32
          %dma_wait3A_274 = tpu.memref_slice %arg4[%dma_wait3A_272, %dma_wait3A_273] : memref<819200x64xf32, #tpu.memory_space<hbm>> -> memref<1x64xf32, #tpu.memory_space<hbm>>
          %dma_wait3A_275 = arith.constant 0 : i32
          %dma_wait3A_276 = arith.constant 0 : i32
          %dma_wait3A_277 = tpu.memref_slice %arg2[%dma_wait3A_275, %dma_wait3A_276] : memref<1000000x64xf32, #tpu.memory_space<hbm>> -> memref<1x64xf32, #tpu.memory_space<hbm>>
          tpu.wait_dma2 semaphore(%arg6 : memref<!tpu.dma_semaphore, #tpu.memory_space<semaphore_mem>>) src(%dma_wait3A_277 : memref<1x64xf32, #tpu.memory_space<hbm>>) dst(%dma_wait3A_274 : memref<1x64xf32, #tpu.memory_space<hbm>>)
          %dma_wait3A_278 = arith.constant 0 : i32
          %dma_wait3A_279 = arith.constant 0 : i32
          %dma_wait3A_280 = tpu.memref_slice %arg4[%dma_wait3A_278, %dma_wait3A_279] : memref<819200x64xf32, #tpu.memory_space<hbm>> -> memref<1x64xf32, #tpu.memory_space<hbm>>
          %dma_wait3A_281 = arith.constant 0 : i32
          %dma_wait3A_282 = arith.constant 0 : i32
          %dma_wait3A_283 = tpu.memref_slice %arg2[%dma_wait3A_281, %dma_wait3A_282] : memref<1000000x64xf32, #tpu.memory_space<hbm>> -> memref<1x64xf32, #tpu.memory_space<hbm>>
          tpu.wait_dma2 semaphore(%arg6 : memref<!tpu.dma_semaphore, #tpu.memory_space<semaphore_mem>>) src(%dma_wait3A_283 : memref<1x64xf32, #tpu.memory_space<hbm>>) dst(%dma_wait3A_280 : memref<1x64xf32, #tpu.memory_space<hbm>>)
        } else {
        }
      }
      %scan3A_17 = arith.constant 64 : i32
      %scan3A_18 = arith.constant 0 : i32
      %scan3A_19 = arith.constant 16 : i32
      %scan3A_20 = arith.addi %scan3A_18, %scan3A_19 : i32
      %scan3A_21 = arith.constant 1 : i32
      scf.for %scan3A_23 = %scan3A_18 to %scan3A_20 step %scan3A_21  : i32 {
        %mul3A_24 = arith.constant 1 : i32
        %mul3A_25 = arith.muli %scan3A_23, %mul3A_24 : i32
        %add3A_26 = arith.constant 0 : i32
        %add3A_27 = arith.addi %add3A_26, %mul3A_25 : i32
        %dma_wait3A = arith.constant 0 : i32
        %dma_wait3A_28 = arith.constant 0 : i32
        %dma_wait3A_29 = tpu.memref_slice %arg4[%dma_wait3A, %dma_wait3A_28] : memref<819200x64xf32, #tpu.memory_space<hbm>> -> memref<1x64xf32, #tpu.memory_space<hbm>>
        %dma_wait3A_30 = arith.constant 0 : i32
        %dma_wait3A_31 = arith.constant 0 : i32
        %dma_wait3A_32 = tpu.memref_slice %arg2[%dma_wait3A_30, %dma_wait3A_31] : memref<1000000x64xf32, #tpu.memory_space<hbm>> -> memref<1x64xf32, #tpu.memory_space<hbm>>
        tpu.wait_dma2 semaphore(%arg6 : memref<!tpu.dma_semaphore, #tpu.memory_space<semaphore_mem>>) src(%dma_wait3A_32 : memref<1x64xf32, #tpu.memory_space<hbm>>) dst(%dma_wait3A_29 : memref<1x64xf32, #tpu.memory_space<hbm>>)
      }
      %scan3A_22 = arith.constant 16 : i32
    }
    %scan3A_6 = arith.constant 25 : i32
    return
  }
}

</mosaic_0001>

<sc_bundles>
// kernel: kernel.3.cloned.1.call-start
scs
__scs_entry_jumppad:
0x0: {  	(pc) =	sbr.rel $0x88, $3  }
0x1: {  	(tag) =	ssettag $0x0;
	lr =	simm.s32 $0x1  }
0x2: {  	[smem:$0x3F9F] =	sst lr;
	_ =	strace $0xD0000000  }
0x3: {  	_ = 	snop  }
0x4: {  	_ = 	snop  }
0x5: {  	_ = 	snop  }
0x6: {  	_ = 	snop  }
0x7: {  	_ = 	snop  }
__scs_overlays_trampoline_lowered:
0x8: {  	[smem:$0x3FAE] =	sst s0  }
0x9: {  	[smem:$0x3FAF] =	sst s1  }
0xa: {  	[smem:$0x3FB0] =	sst s2  }
0xb: {  	[smem:$0x3FB1] =	sst s3  }
0xc: {  	[smem:$0x3FB2] =	sst s4  }
0xd: {  	[smem:$0x3FB3] =	sst s5  }
0xe: {  	[smem:$0x3FB4] =	sst s6  }
0xf: {  	[smem:$0x3FB5] =	sst s7  }
0x10: {  	[smem:$0x3FB6] =	sst s8  }
0x11: {  	[smem:$0x3FB7] =	sst s9;
	s0 =	simm.s32 @!p0 $0x0  }
0x12: {  	s1 =	sld [smem:$0x3F9D];
	s0 =	simm.s32 @p0 $0x1  }
0x13: {  	[smem:$0x3FB8] =	sst s0;
	s0 =	simm.s32 @!p1 $0x0  }
0x14: {  	s2 =	sld [smem:$0x3F9C];
	s0 =	simm.s32 @p1 $0x1  }
0x15: {  	[smem:$0x3FB9] =	sst s0;
	s0 =	simm.s32 @!p2 $0x0  }
0x16: {  	s3 =	sld [smem:$0x3FDB];
	s0 =	simm.s32 @p2 $0x1  }
0x17: {  	s4 =	simm.s32 $0x1BF5;
	[smem:$0x3FBB] =	sst s0  }
0x18: {  	s0 =	sld [smem:$0x3F9E];
	_ =	swait.ge [sflag:s4], $0x0  }
0x19: {  	s7 =	sld [smem:$0x3F9F]  }
0x1a: {  	s8 =	sadd.s32 $0xFFFFE003, lr  }
0x1b: {  	s9 =	sadd.s32 $0xFFFFFEF7, lr;
	s5 =	simm.s32 $0xFFFFFFFF;
	p2 =	slt.u32 s8, $0xFFFFF086  }
0x1c: {  	p1 =	slt.u32 s9, $0xF7A;
	s5 =	simm.s32 @!p2 $0x0  }
0x1d: {  	s5 =	simm.s32 @p1 $0x1;
	p0 =	seq.s32 s7, s2  }
0x1e: {  	s7 =	smul.u32 @!p0 $0xF7A, s2;
	p2 =	seq.s32 @!p0 s5, $0x0  }
0x1f: {  	s9 =	smul.u32 $0xF7A, s1;
	s8 =	simm.s32 @!p0 $0x1BF5;
	p2 =	por !p2, p0  }
0x20: {  	[sflag:s8] =	ssyncset.s32 @!p0 $0xFFFFF086;
	s6 =	sadd.s32 @!p0 s3, s7;
	s7 =	simm.s32 @!p0 $0x108  }
0x21: {  	s3 =	sadd.s32 s3, s9;
	s6 =	sadd.s32 @!p0 $0x88, s6;
	s7 =	simm.s32 @p2 $0x1082  }
0x22: {  	[simem:s7], [sflag:s8] =	dma.local @!p0 [hbm:s6], $0xF7A  }
0x23: {  	s9 =	sor.u32 $0xD0000000, s2;
	s6 =	simm.s32 $0x108;
	_ =	swait.ge @!p0 [sflag:s8], $0x0  }
0x24: {  	s3 =	sadd.s32 $0x88, s3;
	s6 =	simm.s32 @!p1 $0x1082;
	[sflag:s4] =	ssyncset.s32 $0xFFFFF086  }
0x25: {  	[simem:s6], [sflag:s4] =	dma.local [hbm:s3], $0xF7A  }
0x26: {  	[smem:$0x3F9F] =	sst s1;
	(tag) =	ssettag s2;
	_ =	strace s9  }
0x27: {  	s1 =	sld [smem:$0x3FAF]  }
0x28: {  	s2 =	sld [smem:$0x3FB0]  }
0x29: {  	s4 =	sld [smem:$0x3FB2]  }
0x2a: {  	p0 =	seq.s32 s5, $0x0;
	s5 =	sld [smem:$0x3FB3]  }
0x2b: {  	s6 =	sld [smem:$0x3FB4]  }
0x2c: {  	s7 =	sld [smem:$0x3FB5]  }
0x2d: {  	s3 =	simm.s32 $0x108;
	s8 =	sld [smem:$0x3FB6]  }
0x2e: {  	s3 =	simm.s32 @!p0 $0x1082;
	s9 =	sld [smem:$0x3FB7]  }
0x2f: {  	lr =	sadd.s32 s0, s3;
	s0 =	sld [smem:$0x3FAE]  }
0x30: {  	s3 =	sld [smem:$0x3FB1]  }
0x31: {  	[smem:$0x3FBA] =	sst s10  }
0x32: {  	s10 =	sld [smem:$0x3FB8];
	_ =	sdelay $0x3  }
0x33: {  	p0 =	seq.s32 s10, $0x1;
	s10 =	sld [smem:$0x3FBA];
	_ =	sdelay $0x3  }
0x34: {  	[smem:$0x3FBA] =	sst s10  }
0x35: {  	s10 =	sld [smem:$0x3FB9];
	_ =	sdelay $0x3  }
0x36: {  	p1 =	seq.s32 s10, $0x1;
	s10 =	sld [smem:$0x3FBA];
	_ =	sdelay $0x3  }
0x37: {  	[smem:$0x3FBA] =	sst s10  }
0x38: {  	s10 =	sld [smem:$0x3FBB]  }
0x39: {  	_ = 	snop;
	(pc) =	sbr.ind lr, $3  }
0x3a: {  	_ = 	snop  }
0x3b: {  	_ = 	snop  }
0x3c: {  	p2 =	seq.s32 s10, $0x1;
	s10 =	sld [smem:$0x3FBA]  }
0x3d: {  	_ =	shalt  }
0x3e: {  	_ =	shalt  }
0x3f: {  	_ =	shalt  }
0x40: {  	_ =	shalt  }
0x41: {  	_ =	shalt  }
0x42: {  	_ =	shalt  }
0x43: {  	_ =	shalt  }
0x44: {  	_ =	shalt  }
0x45: {  	_ =	shalt  }
0x46: {  	_ =	shalt  }
0x47: {  	_ =	shalt  }
0x48: {  	_ =	shalt  }
0x49: {  	_ =	shalt  }
0x4a: {  	_ =	shalt  }
0x4b: {  	_ =	shalt  }
0x4c: {  	_ =	shalt  }
0x4d: {  	_ =	shalt  }
0x4e: {  	_ =	shalt  }
0x4f: {  	_ =	shalt  }
0x50: {  	_ =	shalt  }
0x51: {  	_ =	shalt  }
0x52: {  	_ =	shalt  }
0x53: {  	_ =	shalt  }
0x54: {  	_ =	shalt  }
0x55: {  	_ =	shalt  }
0x56: {  	_ =	shalt  }
0x57: {  	_ =	shalt  }
0x58: {  	_ =	shalt  }
0x59: {  	_ =	shalt  }
0x5a: {  	_ =	shalt  }
0x5b: {  	_ =	shalt  }
0x5c: {  	_ =	shalt  }
0x5d: {  	_ =	shalt  }
0x5e: {  	_ =	shalt  }
0x5f: {  	_ =	shalt  }
0x60: {  	_ =	shalt  }
0x61: {  	_ =	shalt  }
0x62: {  	_ =	shalt  }
0x63: {  	_ =	shalt  }
0x64: {  	_ =	shalt  }
0x65: {  	_ =	shalt  }
0x66: {  	_ =	shalt  }
0x67: {  	_ =	shalt  }
0x68: {  	_ =	shalt  }
0x69: {  	_ =	shalt  }
0x6a: {  	_ =	shalt  }
0x6b: {  	_ =	shalt  }
0x6c: {  	_ =	shalt  }
0x6d: {  	_ =	shalt  }
0x6e: {  	_ =	shalt  }
0x6f: {  	_ =	shalt  }
0x70: {  	_ =	shalt  }
0x71: {  	_ =	shalt  }
0x72: {  	_ =	shalt  }
0x73: {  	_ =	shalt  }
0x74: {  	_ =	shalt  }
0x75: {  	_ =	shalt  }
0x76: {  	_ =	shalt  }
0x77: {  	_ =	shalt  }
0x78: {  	_ =	shalt  }
0x79: {  	_ =	shalt  }
0x7a: {  	_ =	shalt  }
0x7b: {  	_ =	shalt  }
0x7c: {  	_ =	shalt  }
0x7d: {  	_ =	shalt  }
0x7e: {  	_ =	shalt  }
0x7f: {  	_ =	shalt  }
0x80: {  	_ =	shalt  }
0x81: {  	_ =	shalt  }
0x82: {  	_ =	shalt  }
0x83: {  	_ =	shalt  }
0x84: {  	_ =	shalt  }
0x85: {  	_ =	shalt  }
0x86: {  	_ =	shalt  }
0x87: {  	_ =	shalt  }
.Lfunc_end0:
.L_simem_size_0:
called_computation.1_lowered:
.L_overlay_start_0:
0x88: {  	s2 =	sld [smem:$0x3FD9]  }
0x89: {  	s3 =	sld [smem:$0x3FFE];
	_ =	sdelay $0x1  }
0x8a: {  	s1 =	srdreg.scid  }
0x8b: {  	s0 =	sand.u32 $0x1, s1  }
0x8c: {  	s17 =	sshll.u32 s0, $0xA;
	s2 =	sadd.s32 s3, s2  }
0x8d: {  	s2 =	sadd.s32 s2, s17  }
0x8e: {  	[smem:$0x3FC6] =	sst s2  }
0x8f: {  	_ = 	snop  }
0x90: {  	s2 =	sld [smem:$0x3FD0];
	(tm) =	ssettm $0x1  }
0x91: {  	s18 =	sld [smem:$0x3FFB];
	_ =	sdelay $0x3  }
0x92: {  	_ =	strace s18  }
0x93: {  	s3 =	sld [smem:$0x3FFC];
	_ =	sdelay $0x3  }
0x94: {  	_ =	strace s3  }
0x95: {  	s3 =	sld [smem:$0x3FFD];
	_ =	sdelay $0x3  }
0x96: {  	_ =	strace s3  }
0x97: {  	_ =	strace $0x8FFFFFFF  }
0x98: {  	s19 =	sld [smem:$0x3FDB];
	_ =	sdelay $0x1  }
0x99: {  	s4 =	simm.s32 $_scs_section_size  }
0x9a: {  	s5 =	simm.s32 $_size__tile_overlayer_lowered;
	s6 =	simm.s32 $_tile_overlayer_lowered  }
0x9b: {  	s22 =	simm.s32 $0x1BFF;
	s21 =	sshll.u32 s6, $0x1;
	s3 =	sadd.s32 s4, s19  }
0x9c: {  	s7 =	simm.s32 $0x0;
	s20 =	sshll.u32 s5, $0x1;
	s5 =	sadd.s32 s21, s3  }
0x9d: {  	[timem:s7], [sflag:s22] =	dma.local [hbm:s5], s20  }
0x9e: {  	_ =	swait.ge [sflag:s22], s20  }
0x9f: {  	s4 =	ssub.s32 $0x0, s20;
	[sflag:s22] =	ssyncset.done $0x0  }
0xa0: {  	[sflag:s22] =	ssyncadd.s32 s4;
	_ =	sdelay $0x1  }
0xa1: {  	s23 =	simm.s32 $0x1B8B  }
0xa2: {  	_ =	swait.ge [sflag:s23], $0x1  }
0xa3: {  	[sflag:s23] =	ssyncset.done $0x0  }
0xa4: {  	s25 =	simm.s32 $0x1B8E;
	s24 =	sld [smem:$0x3FFE];
	[sflag:s23] =	ssyncadd.s32 $0xFFFFFFFF  }
0xa5: {  	s26 =	simm.s32 $execute0_lowered;
	[smem:$0x3FD2] =	sst s25  }
0xa6: {  	s5 =	sshll.u32 s26, $0x1;
	_ =	strace $0x80000046;
	[dreg:$0x1] =	wrdreg $0xFFFFFFFF  }
0xa7: {  	s28 =	simm.s32 $_size_execute0_lowered;
	s3 =	sadd.s32 s3, s5;
	[dreg:$0x0] =	wrdreg $0x0  }
0xa8: {  	s5 =	sshll.u32 s28, $0x1;
	[dreg:$0x2] =	wrdreg s3  }
0xa9: {  	[dreg:$0x3] =	wrdreg s5  }
0xaa: {  	[dreg:$0x4] =	wrdreg $0xC0  }
0xab: {  	_ =	task [dreg:s7], $0x5FFFF  }
0xac: {  	[dreg:$0x1] =	wrdreg $0xFFFFFFFF  }
0xad: {  	[dreg:$0x0] =	wrdreg $0x60  }
0xae: {  	[dreg:$0x2] =	wrdreg s24  }
0xaf: {  	[dreg:$0x3] =	wrdreg s2  }
0xb0: {  	[dreg:$0x4] =	wrdreg $0x9  }
0xb1: {  	_ =	task.clear_ibuf [dreg:s7], $0x5FFFF;
	_ =	strace $0x90000046  }
0xb2: {  	s29 =	simm.s32 $0x9;
	_ =	strace $0x80000048  }
0xb3: {  	_ =	swait.ge [sflag:s29], $0x1  }
0xb4: {  	[sflag:s29] =	ssyncadd.s32 $0xFFFFFFFF  }
0xb5: {  	_ =	strace $0x90000048  }
0xb6: {  	_ =	sfence  }
0xb7: {  	s30 =	sld [smem:$0x0];
	_ =	sdelay $0x2  }
0xb8: {  	s31 =	sshll.u32 s1, $0xD;
	s1 =	sshrl.u32 s1, $0x2  }
0xb9: {  	s3 =	sand.u32 $0x4000, s31;
	s1 =	sadd.s32 s1, s30  }
0xba: {  	s0 =	sor.u32 s3, s0;
	s1 =	sshll.u32 s1, $0x11  }
0xbb: {  	s0 =	sor.u32 s1, s0  }
0xbc: {  	s0 =	sadd.s32 $0x8F2B, s0  }
0xbd: {  	[sflag:s0] =	ssyncadd.remote.s32 $0x1  }
0xbe: {  	_ =	sfence.sel $0xFFFF  }
0xbf: {  	[dreg:$0x0] =	wrdreg $0xFFFFFFFF;
	(pc) =	sbr.abs _section_cstart, $3  }
0xc0: {  	[dreg:$0x1] =	wrdreg $0xFFFFFFFF  }
0xc1: {  	_ =	task.clear_ibuf [dreg:s7], $0x2FFFF;
	_ =	strace $0x9FFFFFFF  }
0xc2: {  	(tm) =	ssettm $0x7FFFFFFF  }
0xc3: {  	_ =	shalt  }
tec
execute0_lowered:
.L_overlay_start_1:
0x0: {  	(tag) =	ssettag $0x1  }
0x1: {  	s0 =	rddreg [dreg:$0x0];
	s2 =	simm.s32 $0x0;
	s1 =	stileid.u32  }
0x2: {  	s5 =	srdreg.scid;
	[smem:$0x7FF] =	sst s2  }
0x3: {  	s6 =	smul.u32 $0xC8000, s1;
	s5 =	sand.u32 $0x1, s5;
	s8 =	sshll.u32 s1, $0x1  }
0x4: {  	s7 =	ssub.s32 $0x2, s5;
	s9 =	smul.u32 $0x64000, s5;
	s5 =	sor.u32 s5, s8  }
0x5: {  	s4 =	sadd.s32 $0x800, s0;
	s29 =	sshrl.u32 s7, $0x1;
	s3 =	smul.u32 $0x6400, s5  }
0x6: {  	_ =	strace $0x80000047;
	s0 =	sadd.s32 s6, s0;
	s6 =	ssub.s32 s7, s29  }
0x7: {  	s0 =	sadd.s32 s9, s0;
	[dreg:$0xb] =	wrdreg s3;
	s30 =	smax.u32 s6, $0x1  }
0x8: {  	s31 =	sshll.u32 s1, $0x6;
	s0 =	sadd.s32 $0xF42C00, s0;
	[dreg:$0xc] =	wrdreg s30  }
0x9: {  	s9 =	sor.u32 $0x1C01, s31;
	[dreg:$0xd] =	wrdreg s0  }
.LBB2_1:
0xa: {  	[dreg:$0xa] =	wrdreg s2  }
0xb: {  	s0 =	rddreg [dreg:$0xd]  }
0xc: {  	s1 =	simm.s32 $0x0;
	[dreg:$0x3] =	wrdreg s0  }
.LBB2_2:
0xd: {  	s0 =	sshll.u32 s1, $0xA;
	s8 =	rddreg [dreg:$0xb]  }
0xe: {  	[dreg:$0xe] =	wrdreg s1;
	s0 =	sadd.s32 s8, s0  }
0xf: {  	s10 =	rddreg [dreg:$0x1];
	s0 =	sshrl.u32 s0, $0x3  }
0x10: {  	s24 =	simm.s32 $0x0;
	s11 =	simm.s32 $0x2;
	s0 =	sadd.s32 s10, s0  }
0x11: {  	[tilespmem:s24], [sflag:$0x2] =	stream.linear.gather [hbm4b:s0+s24], $0x400, $0x38;
	[tilespmem:$0x400] =	vst v63  }
0x12: {  	_ =	swait.ge [sflag:s11], $0x400  }
0x13: {  	[sflag:s11] =	ssyncset.done $0x0  }
0x14: {  	[sflag:s11] =	ssyncadd.s32 $0xFFFFFC00  }
0x15: {  	v0 =	vld [tilespmem:s24+$0x0];
	_ =	sdelay $0x4  }
0x16: {  	v0 =	vshll.u32 v0, $0x4  }
0x17: {  	(v2sf) =	vpush v0, $0x0  }
0x18: {  	(v2sf) =	vpush v0, $0xF  }
0x19: {  	(v2sf) =	vpush v0, $0x6  }
0x1a: {  	(v2sf) =	vpush v0, $0x5  }
0x1b: {  	(v2sf) =	vpush v0, $0xE  }
0x1c: {  	(v2sf) =	vpush v0, $0x9  }
0x1d: {  	(v2sf) =	vpush v0, $0x3  }
0x1e: {  	(v2sf) =	vpush v0, $0x2  }
0x1f: {  	(v2sf) =	vpush v0, $0xB  }
0x20: {  	(v2sf) =	vpush v0, $0xA  }
0x21: {  	(v2sf) =	vpush v0, $0x4  }
0x22: {  	(v2sf) =	vpush v0, $0xD  }
0x23: {  	(v2sf) =	vpush v0, $0xC  }
0x24: {  	(v2sf) =	vpush v0, $0x7  }
0x25: {  	(v2sf) =	vpush v0, $0x1  }
0x26: {  	s16 =	spop (v2sf);
	(v2sf) =	vpush v0, $0x8  }
0x27: {  	s14 =	spop (v2sf)  }
0x28: {  	s17 =	spop (v2sf)  }
0x29: {  	s12 =	spop (v2sf)  }
0x2a: {  	s15 =	spop (v2sf)  }
0x2b: {  	s2 =	spop (v2sf)  }
0x2c: {  	s3 =	spop (v2sf)  }
0x2d: {  	s5 =	spop (v2sf)  }
0x2e: {  	s22 =	spop (v2sf)  }
0x2f: {  	s13 =	rddreg [dreg:$0x3];
	s6 =	spop (v2sf)  }
0x30: {  	s0 =	sadd.s32 $0x0, s13;
	s7 =	spop (v2sf)  }
0x31: {  	p1 =	por $0x1, $0x1;
	s18 =	sadd.s32 $0x10, s0;
	s25 =	spop (v2sf)  }
0x32: {  	s20 =	sadd.s32 $0x20, s0;
	s23 =	sadd.s32 $0x30, s0;
	s26 =	spop (v2sf)  }
0x33: {  	s31 =	sadd.s32 $0x40, s0;
	s16 =	sand.u32 $0x1FFFFFF0, s16;
	s28 =	spop (v2sf)  }
0x34: {  	s8 =	sadd.s32 $0x60, s0;
	s16 =	sadd.s32 s4, s16;
	s29 =	spop (v2sf)  }
0x35: {  	s19 =	sand.u32 $0x1FFFFFF0, s5;
	s29 =	sand.u32 $0x1FFFFFF0, s29;
	s30 =	spop (v2sf)  }
0x36: {  	[hbm:s0], [sflag:s9] =	dma.local [hbm:s16], $0x10  }
0x37: {  	s21 =	sand.u32 $0x1FFFFFF0, s3;
	s29 =	sadd.s32 s4, s29;
	s16 =	sadd.s32 s4, s19  }
0x38: {  	[hbm:s18], [sflag:s9] =	dma.local [hbm:s29], $0x10  }
0x39: {  	[hbm:s20], [sflag:s9] =	dma.local [hbm:s16], $0x10  }
0x3a: {  	s11 =	sadd.s32 $0x70, s0;
	s29 =	sand.u32 $0x1FFFFFF0, s7;
	s16 =	sadd.s32 s4, s21  }
0x3b: {  	[hbm:s23], [sflag:s9] =	dma.local [hbm:s16], $0x10  }
0x3c: {  	s13 =	sadd.s32 $0x80, s0;
	s3 =	sand.u32 $0x1FFFFFF0, s12;
	s16 =	sadd.s32 s4, s29  }
0x3d: {  	[hbm:s31], [sflag:s9] =	dma.local [hbm:s16], $0x10  }
0x3e: {  	s5 =	sadd.s32 $0x50, s0;
	s7 =	sand.u32 $0x1FFFFFF0, s17;
	s16 =	sadd.s32 s4, s3  }
0x3f: {  	[hbm:s5], [sflag:s9] =	dma.local [hbm:s16], $0x10  }
0x40: {  	s14 =	sand.u32 $0x1FFFFFF0, s14;
	s10 =	sand.u32 $0x1FFFFFF0, s28;
	s16 =	sadd.s32 s4, s7  }
0x41: {  	[hbm:s8], [sflag:s9] =	dma.local [hbm:s16], $0x10  }
0x42: {  	s15 =	sand.u32 $0x1FFFFFF0, s15;
	s12 =	sand.u32 $0x1FFFFFF0, s30;
	s16 =	sadd.s32 s4, s10  }
0x43: {  	[hbm:s11], [sflag:s9] =	dma.local [hbm:s16], $0x10  }
0x44: {  	s15 =	sadd.s32 s4, s15;
	s18 =	sand.u32 $0x1FFFFFF0, s2;
	s16 =	sadd.s32 s4, s12  }
0x45: {  	[hbm:s13], [sflag:s9] =	dma.local [hbm:s16], $0x10  }
0x46: {  	s19 =	sadd.s32 $0x90, s0;
	s20 =	sand.u32 $0x1FFFFFF0, s6;
	s16 =	sadd.s32 s4, s18  }
0x47: {  	[hbm:s19], [sflag:s9] =	dma.local [hbm:s16], $0x10  }
0x48: {  	s22 =	sand.u32 $0x1FFFFFF0, s22;
	s21 =	sadd.s32 $0xA0, s0;
	s16 =	sadd.s32 s4, s20  }
0x49: {  	[hbm:s21], [sflag:s9] =	dma.local [hbm:s16], $0x10  }
0x4a: {  	s26 =	sand.u32 $0x1FFFFFF0, s26;
	s23 =	sadd.s32 $0xB0, s0;
	s16 =	sadd.s32 s4, s22  }
0x4b: {  	[hbm:s23], [sflag:s9] =	dma.local [hbm:s16], $0x10  }
0x4c: {  	s28 =	sadd.s32 $0xC0, s0;
	s29 =	sand.u32 $0x1FFFFFF0, s25;
	s16 =	sadd.s32 s4, s26  }
0x4d: {  	[hbm:s28], [sflag:s9] =	dma.local [hbm:s16], $0x10  }
0x4e: {  	s30 =	sadd.s32 $0xD0, s0;
	s31 =	sadd.s32 $0xE0, s0;
	s16 =	sadd.s32 s4, s29  }
0x4f: {  	[hbm:s30], [sflag:s9] =	dma.local [hbm:s16], $0x10  }
0x50: {  	[hbm:s31], [sflag:s9] =	dma.local [hbm:s15], $0x10  }
0x51: {  	s14 =	sadd.s32 s4, s14;
	s0 =	sadd.s32 $0xF0, s0;
	s15 =	simm.s32 @!p1 $0x1  }
0x52: {  	[hbm:s0], [sflag:s9] =	dma.local [hbm:s14], $0x10  }
0x53: {  	_ =	swait.ge @!p1 [sflag:s15], $0x10  }
0x54: {  	[sflag:s15] =	ssyncset.done @!p1 $0x0  }
0x55: {  	[sflag:s15] =	ssyncadd.s32 @!p1 $0xFFFFFFF0  }
0x56: {  	_ =	swait.ge @!p1 [sflag:s15], $0x10  }
0x57: {  	[sflag:s15] =	ssyncset.done @!p1 $0x0  }
0x58: {  	[sflag:s15] =	ssyncadd.s32 @!p1 $0xFFFFFFF0  }
0x59: {  	_ =	swait.ge @!p1 [sflag:s15], $0x10  }
0x5a: {  	[sflag:s15] =	ssyncset.done @!p1 $0x0  }
0x5b: {  	[sflag:s15] =	ssyncadd.s32 @!p1 $0xFFFFFFF0  }
0x5c: {  	_ =	swait.ge @!p1 [sflag:s15], $0x10  }
0x5d: {  	s14 =	simm.s32 $0x100;
	[sflag:s15] =	ssyncset.done @!p1 $0x0  }
.LBB2_3:
0x5e: {  	[sflag:s15] =	ssyncadd.s32 @!p1 $0xFFFFFFF0  }
0x5f: {  	_ =	swait.ge @!p1 [sflag:s15], $0x10  }
0x60: {  	[sflag:s15] =	ssyncset.done @!p1 $0x0  }
0x61: {  	[sflag:s15] =	ssyncadd.s32 @!p1 $0xFFFFFFF0  }
0x62: {  	_ =	swait.ge @!p1 [sflag:s15], $0x10  }
0x63: {  	[sflag:s15] =	ssyncset.done @!p1 $0x0  }
0x64: {  	[sflag:s15] =	ssyncadd.s32 @!p1 $0xFFFFFFF0  }
0x65: {  	_ =	swait.ge @!p1 [sflag:s15], $0x10  }
0x66: {  	[sflag:s15] =	ssyncset.done @!p1 $0x0  }
0x67: {  	[sflag:s15] =	ssyncadd.s32 @!p1 $0xFFFFFFF0  }
0x68: {  	_ =	swait.ge @!p1 [sflag:s15], $0x10  }
0x69: {  	[sflag:s15] =	ssyncset.done @!p1 $0x0  }
0x6a: {  	[sflag:s15] =	ssyncadd.s32 @!p1 $0xFFFFFFF0  }
0x6b: {  	_ =	swait.ge @!p1 [sflag:s15], $0x10  }
0x6c: {  	[sflag:s15] =	ssyncset.done @!p1 $0x0  }
0x6d: {  	[sflag:s15] =	ssyncadd.s32 @!p1 $0xFFFFFFF0  }
0x6e: {  	_ =	swait.ge @!p1 [sflag:s15], $0x10  }
0x6f: {  	[sflag:s15] =	ssyncset.done @!p1 $0x0  }
0x70: {  	[sflag:s15] =	ssyncadd.s32 @!p1 $0xFFFFFFF0  }
0x71: {  	_ =	swait.ge @!p1 [sflag:s15], $0x10  }
0x72: {  	[sflag:s15] =	ssyncset.done @!p1 $0x0  }
0x73: {  	[sflag:s15] =	ssyncadd.s32 @!p1 $0xFFFFFFF0  }
0x74: {  	_ =	swait.ge @!p1 [sflag:s15], $0x10  }
0x75: {  	[sflag:s15] =	ssyncset.done @!p1 $0x0  }
0x76: {  	[sflag:s15] =	ssyncadd.s32 @!p1 $0xFFFFFFF0  }
0x77: {  	_ =	swait.ge @!p1 [sflag:s15], $0x10  }
0x78: {  	[sflag:s15] =	ssyncset.done @!p1 $0x0  }
0x79: {  	[sflag:s15] =	ssyncadd.s32 @!p1 $0xFFFFFFF0  }
0x7a: {  	_ =	swait.ge @!p1 [sflag:s15], $0x10  }
0x7b: {  	[sflag:s15] =	ssyncset.done @!p1 $0x0  }
0x7c: {  	[sflag:s15] =	ssyncadd.s32 @!p1 $0xFFFFFFF0  }
0x7d: {  	_ =	swait.ge @!p1 [sflag:s15], $0x10  }
0x7e: {  	[sflag:s15] =	ssyncset.done @!p1 $0x0  }
0x7f: {  	[sflag:s15] =	ssyncadd.s32 @!p1 $0xFFFFFFF0  }
0x80: {  	_ =	swait.ge @!p1 [sflag:s15], $0x10  }
0x81: {  	[sflag:s15] =	ssyncset.done @!p1 $0x0  }
0x82: {  	s24 =	sadd.s32 $0x10, s24;
	[sflag:s15] =	ssyncadd.s32 @!p1 $0xFFFFFFF0  }
0x83: {  	v0 =	vld [tilespmem:s24+$0x0];
	_ =	sdelay $0x4  }
0x84: {  	v0 =	vshll.u32 v0, $0x4  }
0x85: {  	(v2sf) =	vpush v0, $0x0  }
0x86: {  	(v2sf) =	vpush v0, $0xF  }
0x87: {  	(v2sf) =	vpush v0, $0x6  }
0x88: {  	(v2sf) =	vpush v0, $0x5  }
0x89: {  	(v2sf) =	vpush v0, $0xE  }
0x8a: {  	(v2sf) =	vpush v0, $0x9  }
0x8b: {  	(v2sf) =	vpush v0, $0x3  }
0x8c: {  	(v2sf) =	vpush v0, $0x2  }
0x8d: {  	(v2sf) =	vpush v0, $0xB  }
0x8e: {  	(v2sf) =	vpush v0, $0xA  }
0x8f: {  	s16 =	smov.u32 s14;
	s0 =	rddreg [dreg:$0x3];
	(v2sf) =	vpush v0, $0x4  }
0x90: {  	s22 =	sadd.s32 s16, s0;
	(v2sf) =	vpush v0, $0xD  }
0x91: {  	p1 =	seq.s32 s16, $0x0;
	s0 =	sadd.s32 $0xA0, s22;
	(v2sf) =	vpush v0, $0xC  }
0x92: {  	s17 =	sadd.s32 $0x10, s22;
	s7 =	sadd.s32 $0x30, s22;
	s8 =	sadd.s32 $0x70, s22;
	(v2sf) =	vpush v0, $0x7  }
0x93: {  	s10 =	sadd.s32 $0xF0, s22;
	s26 =	sadd.s32 $0x20, s22;
	s11 =	sadd.s32 $0xD0, s22;
	(v2sf) =	vpush v0, $0x1  }
0x94: {  	s25 =	sadd.s32 $0x60, s22;
	[dreg:$0x5] =	wrdreg s0;
	s12 =	spop (v2sf)  }
0x95: {  	s1 =	sadd.s32 $0xB0, s22;
	[dreg:$0x9] =	wrdreg s7;
	(v2sf) =	vpush v0, $0x8;
	s13 =	spop (v2sf)  }
0x96: {  	s29 =	sadd.s32 $0x50, s22;
	[dreg:$0x7] =	wrdreg s8;
	s2 =	spop (v2sf)  }
0x97: {  	s31 =	sadd.s32 $0x40, s22;
	[dreg:$0x4] =	wrdreg s10;
	s18 =	spop (v2sf)  }
0x98: {  	s28 =	sadd.s32 $0x90, s22;
	[dreg:$0x6] =	wrdreg s11;
	s19 =	spop (v2sf)  }
0x99: {  	s16 =	sadd.s32 $0xE0, s22;
	[dreg:$0x8] =	wrdreg s1;
	s20 =	spop (v2sf)  }
0x9a: {  	s6 =	sand.u32 $0x1FFFFFF0, s12;
	s30 =	sand.u32 $0x1FFFFFF0, s13;
	s21 =	spop (v2sf)  }
0x9b: {  	s6 =	sadd.s32 s4, s6;
	s2 =	sand.u32 $0x1FFFFFF0, s2;
	s5 =	spop (v2sf)  }
0x9c: {  	s7 =	sand.u32 $0x1FFFFFF0, s18;
	s2 =	sadd.s32 s4, s2;
	s8 =	spop (v2sf)  }
0x9d: {  	s3 =	sand.u32 $0x1FFFFFF0, s19;
	s7 =	sadd.s32 s4, s7;
	s12 =	spop (v2sf)  }
0x9e: {  	s0 =	sand.u32 $0x1FFFFFF0, s20;
	s23 =	sand.u32 $0x1FFFFFF0, s21;
	s10 =	spop (v2sf)  }
0x9f: {  	s0 =	sadd.s32 s4, s0;
	s21 =	sadd.s32 $0xC0, s22;
	s11 =	spop (v2sf)  }
0xa0: {  	s1 =	sadd.s32 s4, s23;
	s5 =	sand.u32 $0x1FFFFFF0, s5;
	s13 =	spop (v2sf)  }
0xa1: {  	s23 =	sadd.s32 $0x80, s22;
	s8 =	sand.u32 $0x1FFFFFF0, s8;
	s18 =	spop (v2sf)  }
0xa2: {  	s5 =	sadd.s32 s4, s5;
	s12 =	sand.u32 $0x1FFFFFF0, s12;
	s19 =	spop (v2sf)  }
0xa3: {  	s8 =	sadd.s32 s4, s8;
	s10 =	sand.u32 $0x1FFFFFF0, s10;
	s19 =	sand.u32 $0x1FFFFFF0, s19  }
0xa4: {  	s10 =	sadd.s32 s4, s10;
	s20 =	spop (v2sf);
	s19 =	sadd.s32 s4, s19  }
0xa5: {  	[hbm:s22], [sflag:s9] =	dma.local [hbm:s6], $0x10  }
0xa6: {  	[hbm:s17], [sflag:s9] =	dma.local [hbm:s19], $0x10  }
0xa7: {  	[hbm:s26], [sflag:s9] =	dma.local [hbm:s5], $0x10  }
0xa8: {  	s18 =	sand.u32 $0x1FFFFFF0, s18;
	s20 =	sand.u32 $0x1FFFFFF0, s20;
	s5 =	rddreg [dreg:$0x9]  }
0xa9: {  	[hbm:s5], [sflag:s9] =	dma.local [hbm:s1], $0x10  }
0xaa: {  	[hbm:s31], [sflag:s9] =	dma.local [hbm:s10], $0x10  }
0xab: {  	[hbm:s29], [sflag:s9] =	dma.local [hbm:s7], $0x10  }
0xac: {  	[hbm:s25], [sflag:s9] =	dma.local [hbm:s2], $0x10  }
0xad: {  	s18 =	sadd.s32 s4, s18;
	s20 =	sadd.s32 s4, s20;
	s26 =	rddreg [dreg:$0x7]  }
0xae: {  	[hbm:s26], [sflag:s9] =	dma.local [hbm:s18], $0x10  }
0xaf: {  	[hbm:s23], [sflag:s9] =	dma.local [hbm:s20], $0x10  }
0xb0: {  	[hbm:s28], [sflag:s9] =	dma.local [hbm:s0], $0x10  }
0xb1: {  	s12 =	sadd.s32 s4, s12;
	s13 =	sand.u32 $0x1FFFFFF0, s13;
	s0 =	rddreg [dreg:$0x5]  }
0xb2: {  	[hbm:s0], [sflag:s9] =	dma.local [hbm:s12], $0x10  }
0xb3: {  	s11 =	sand.u32 $0x1FFFFFF0, s11;
	s13 =	sadd.s32 s4, s13;
	s0 =	rddreg [dreg:$0x8]  }
0xb4: {  	[hbm:s0], [sflag:s9] =	dma.local [hbm:s8], $0x10  }
0xb5: {  	[hbm:s21], [sflag:s9] =	dma.local [hbm:s13], $0x10  }
0xb6: {  	s3 =	sadd.s32 s4, s3;
	s11 =	sadd.s32 s4, s11;
	s29 =	rddreg [dreg:$0x6]  }
0xb7: {  	[hbm:s29], [sflag:s9] =	dma.local [hbm:s11], $0x10  }
0xb8: {  	[hbm:s16], [sflag:s9] =	dma.local [hbm:s3], $0x10  }
0xb9: {  	s15 =	simm.s32 @!p1 $0x1;
	s30 =	sadd.s32 s4, s30;
	s31 =	rddreg [dreg:$0x4]  }
0xba: {  	[hbm:s31], [sflag:s9] =	dma.local [hbm:s30], $0x10  }
0xbb: {  	_ =	swait.ge @!p1 [sflag:s15], $0x10  }
0xbc: {  	[sflag:s15] =	ssyncset.done @!p1 $0x0  }
0xbd: {  	[sflag:s15] =	ssyncadd.s32 @!p1 $0xFFFFFFF0  }
0xbe: {  	_ =	swait.ge @!p1 [sflag:s15], $0x10  }
0xbf: {  	s14 =	sadd.s32 $0x100, s14;
	[sflag:s15] =	ssyncset.done @!p1 $0x0  }
0xc0: {  	p0 =	sne.s32 s14, $0x4000;
	[sflag:s15] =	ssyncadd.s32 @!p1 $0xFFFFFFF0  }
.Ltmp0:
0xc1: {  	_ =	swait.ge @!p1 [sflag:s15], $0x10;
	(pc) =	sbr.rel @p0 .LBB2_3-.Ltmp0, $4  }
0xc2: {  	[sflag:s15] =	ssyncset.done @!p1 $0x0  }
0xc3: {  	[sflag:s15] =	ssyncadd.s32 @!p1 $0xFFFFFFF0  }
0xc4: {  	_ =	swait.ge @!p1 [sflag:s15], $0x10  }
0xc5: {  	[sflag:s15] =	ssyncset.done @!p1 $0x0  }
0xc6: {  	[sflag:s15] =	ssyncadd.s32 @!p1 $0xFFFFFFF0  }
0xc7: {  	_ =	swait.ge @!p1 [sflag:s15], $0x10  }
0xc8: {  	[sflag:s15] =	ssyncset.done @!p1 $0x0  }
0xc9: {  	[sflag:s15] =	ssyncadd.s32 @!p1 $0xFFFFFFF0  }
0xca: {  	_ =	swait.ge @!p1 [sflag:s15], $0x10  }
0xcb: {  	[sflag:s15] =	ssyncset.done @!p1 $0x0  }
0xcc: {  	[sflag:s15] =	ssyncadd.s32 @!p1 $0xFFFFFFF0  }
0xcd: {  	_ =	swait.ge @!p1 [sflag:s15], $0x10  }
0xce: {  	[sflag:s15] =	ssyncset.done @!p1 $0x0  }
0xcf: {  	[sflag:s15] =	ssyncadd.s32 @!p1 $0xFFFFFFF0  }
0xd0: {  	_ =	swait.ge @!p1 [sflag:s15], $0x10  }
0xd1: {  	[sflag:s15] =	ssyncset.done @!p1 $0x0  }
0xd2: {  	[sflag:s15] =	ssyncadd.s32 @!p1 $0xFFFFFFF0  }
0xd3: {  	_ =	swait.ge @!p1 [sflag:s15], $0x10  }
0xd4: {  	[sflag:s15] =	ssyncset.done @!p1 $0x0  }
0xd5: {  	[sflag:s15] =	ssyncadd.s32 @!p1 $0xFFFFFFF0  }
0xd6: {  	_ =	swait.ge @!p1 [sflag:s15], $0x10  }
0xd7: {  	[sflag:s15] =	ssyncset.done @!p1 $0x0  }
0xd8: {  	[sflag:s15] =	ssyncadd.s32 @!p1 $0xFFFFFFF0  }
0xd9: {  	_ =	swait.ge @!p1 [sflag:s15], $0x10  }
0xda: {  	[sflag:s15] =	ssyncset.done @!p1 $0x0  }
0xdb: {  	[sflag:s15] =	ssyncadd.s32 @!p1 $0xFFFFFFF0  }
0xdc: {  	_ =	swait.ge @!p1 [sflag:s15], $0x10  }
0xdd: {  	[sflag:s15] =	ssyncset.done @!p1 $0x0  }
0xde: {  	[sflag:s15] =	ssyncadd.s32 @!p1 $0xFFFFFFF0  }
0xdf: {  	_ =	swait.ge @!p1 [sflag:s15], $0x10  }
0xe0: {  	[sflag:s15] =	ssyncset.done @!p1 $0x0  }
0xe1: {  	[sflag:s15] =	ssyncadd.s32 @!p1 $0xFFFFFFF0  }
0xe2: {  	_ =	swait.ge @!p1 [sflag:s15], $0x10  }
0xe3: {  	[sflag:s15] =	ssyncset.done @!p1 $0x0  }
0xe4: {  	[sflag:s15] =	ssyncadd.s32 @!p1 $0xFFFFFFF0  }
0xe5: {  	_ =	swait.ge @!p1 [sflag:s15], $0x10  }
0xe6: {  	[sflag:s15] =	ssyncset.done @!p1 $0x0  }
0xe7: {  	[sflag:s15] =	ssyncadd.s32 @!p1 $0xFFFFFFF0  }
0xe8: {  	_ =	swait.ge @!p1 [sflag:s15], $0x10  }
0xe9: {  	[sflag:s15] =	ssyncset.done @!p1 $0x0  }
0xea: {  	s0 =	simm.s32 $0x1;
	[sflag:s15] =	ssyncadd.s32 @!p1 $0xFFFFFFF0  }
0xeb: {  	_ =	swait.ge [sflag:s0], $0x10  }
0xec: {  	[sflag:s0] =	ssyncset.done $0x0  }
0xed: {  	[sflag:s0] =	ssyncadd.s32 $0xFFFFFFF0  }
0xee: {  	_ =	swait.ge [sflag:s0], $0x10  }
0xef: {  	[sflag:s0] =	ssyncset.done $0x0  }
0xf0: {  	[sflag:s0] =	ssyncadd.s32 $0xFFFFFFF0  }
0xf1: {  	_ =	swait.ge [sflag:s0], $0x10  }
0xf2: {  	[sflag:s0] =	ssyncset.done $0x0  }
0xf3: {  	[sflag:s0] =	ssyncadd.s32 $0xFFFFFFF0  }
0xf4: {  	_ =	swait.ge [sflag:s0], $0x10  }
0xf5: {  	[sflag:s0] =	ssyncset.done $0x0  }
0xf6: {  	[sflag:s0] =	ssyncadd.s32 $0xFFFFFFF0  }
0xf7: {  	_ =	swait.ge [sflag:s0], $0x10  }
0xf8: {  	[sflag:s0] =	ssyncset.done $0x0  }
0xf9: {  	[sflag:s0] =	ssyncadd.s32 $0xFFFFFFF0  }
0xfa: {  	_ =	swait.ge [sflag:s0], $0x10  }
0xfb: {  	[sflag:s0] =	ssyncset.done $0x0  }
0xfc: {  	[sflag:s0] =	ssyncadd.s32 $0xFFFFFFF0  }
0xfd: {  	_ =	swait.ge [sflag:s0], $0x10  }
0xfe: {  	[sflag:s0] =	ssyncset.done $0x0  }
0xff: {  	[sflag:s0] =	ssyncadd.s32 $0xFFFFFFF0  }
0x100: {  	_ =	swait.ge [sflag:s0], $0x10  }
0x101: {  	[sflag:s0] =	ssyncset.done $0x0  }
0x102: {  	[sflag:s0] =	ssyncadd.s32 $0xFFFFFFF0  }
0x103: {  	_ =	swait.ge [sflag:s0], $0x10  }
0x104: {  	[sflag:s0] =	ssyncset.done $0x0  }
0x105: {  	[sflag:s0] =	ssyncadd.s32 $0xFFFFFFF0  }
0x106: {  	_ =	swait.ge [sflag:s0], $0x10  }
0x107: {  	[sflag:s0] =	ssyncset.done $0x0  }
0x108: {  	[sflag:s0] =	ssyncadd.s32 $0xFFFFFFF0  }
0x109: {  	_ =	swait.ge [sflag:s0], $0x10  }
0x10a: {  	[sflag:s0] =	ssyncset.done $0x0  }
0x10b: {  	[sflag:s0] =	ssyncadd.s32 $0xFFFFFFF0  }
0x10c: {  	_ =	swait.ge [sflag:s0], $0x10  }
0x10d: {  	[sflag:s0] =	ssyncset.done $0x0  }
0x10e: {  	[sflag:s0] =	ssyncadd.s32 $0xFFFFFFF0  }
0x10f: {  	_ =	swait.ge [sflag:s0], $0x10  }
0x110: {  	[sflag:s0] =	ssyncset.done $0x0  }
0x111: {  	[sflag:s0] =	ssyncadd.s32 $0xFFFFFFF0  }
0x112: {  	_ =	swait.ge [sflag:s0], $0x10  }
0x113: {  	[sflag:s0] =	ssyncset.done $0x0  }
0x114: {  	[sflag:s0] =	ssyncadd.s32 $0xFFFFFFF0  }
0x115: {  	_ =	swait.ge [sflag:s0], $0x10  }
0x116: {  	[sflag:s0] =	ssyncset.done $0x0  }
0x117: {  	[sflag:s0] =	ssyncadd.s32 $0xFFFFFFF0  }
0x118: {  	_ =	swait.ge [sflag:s0], $0x10  }
0x119: {  	s1 =	rddreg [dreg:$0xe]  }
0x11a: {  	s1 =	sadd.s32 $0x1, s1  }
0x11b: {  	p0 =	sne.s32 s1, $0x19  }
.Ltmp1:
0x11c: {  	_ = 	snop;
	(pc) =	sbr.rel @p0 .LBB2_2-.Ltmp1, $4  }
0x11d: {  	_ = 	snop  }
0x11e: {  	[sflag:s0] =	ssyncset.done $0x0;
	s31 =	rddreg [dreg:$0x3]  }
0x11f: {  	[sflag:s0] =	ssyncadd.s32 $0xFFFFFFF0;
	s0 =	sadd.s32 $0x4000, s31  }
0x120: {  	[dreg:$0x3] =	wrdreg s0  }
0x121: {  	s2 =	rddreg [dreg:$0xa]  }
0x122: {  	s0 =	rddreg [dreg:$0xc];
	s2 =	sadd.s32 $0x1, s2  }
0x123: {  	p0 =	sne.s32 s2, s0  }
.Ltmp2:
0x124: {  	_ = 	snop;
	(pc) =	sbr.rel @p0 .LBB2_1-.Ltmp2, $1  }
0x125: {  	_ =	sdelay $0x3  }
0x126: {  	_ =	sfence.sel $0x180000  }
0x127: {  	[bflag:$0x0] =	sbarrier.arrive $0xFFFF  }
0x128: {  	_ =	strace $0x90000047  }
0x129: {  	s0 =	stileid.u32;
	[bflag:$0x2] =	sbarrier.arrive $0xFFFF  }
0x12a: {  	p0 =	sne.s32 s0, $0x0;
	s0 =	rddreg [dreg:$0x2]  }
0x12b: {  	s0 =	sadd.s32 @!p0 $0x100000, s0  }
0x12c: {  	[sflag:s0] =	ssyncadd.tile.s32 @!p0 $0x1;
	_ =	shalt  }
.Lfunc_end2:
_tile_overlayer_lowered:
.L_overlay_start_2:
0x12d: {  	(tag) =	ssettag $0x2  }
0x12e: {  	s0 =	rddreg [dreg:$0x0];
	s2 =	stileid.u32  }
0x12f: {  	s1 =	rddreg [dreg:$0x1];
	p0 =	sne.s32 s2, $0x0  }
0x130: {  	s3 =	rddreg [dreg:$0x2];
	[bflag:$0x3] =	sbarrier.arrive $0xFFFF;
	s2 =	simm.s32 @!p0 $0x1C02  }
0x131: {  	[timem:s3], [sflag:s2] =	dma.local @!p0 [hbm:s0], s1  }
0x132: {  	s0 =	simm.s32 @!p0 $0x2  }
0x133: {  	_ =	swait.ge @!p0 [sflag:s0], s1  }
0x134: {  	s1 =	ssub.s32 @!p0 $0x0, s1;
	[sflag:s0] =	ssyncset.done @!p0 $0x0  }
0x135: {  	[sflag:s0] =	ssyncadd.s32 @!p0 s1  }
0x136: {  	[bflag:$0x3] =	sbarrier.arrive $0xFFFF  }
0x137: {  	_ =	shalt  }

// kernel: sparse-core-data-format-call.cloned.1.call-start
scs
called_computation_lowered:
.L_overlay_start_0:
0x0: {  	s2 =	sld [smem:$0x3FD9]  }
0x1: {  	s3 =	sld [smem:$0x3FFE];
	_ =	sdelay $0x1  }
0x2: {  	s1 =	srdreg.scid  }
0x3: {  	s0 =	sand.u32 $0x1, s1  }
0x4: {  	s18 =	sshll.u32 s0, $0xA;
	s2 =	sadd.s32 s3, s2  }
0x5: {  	s2 =	sadd.s32 s2, s18  }
0x6: {  	[smem:$0x3FC6] =	sst s2  }
0x7: {  	_ = 	snop  }
0x8: {  	s2 =	sld [smem:$0x3FD0];
	(tm) =	ssettm $0x1  }
0x9: {  	s19 =	sld [smem:$0x3FFB];
	_ =	sdelay $0x3  }
0xa: {  	_ =	strace s19  }
0xb: {  	s3 =	sld [smem:$0x3FFC];
	_ =	sdelay $0x3  }
0xc: {  	_ =	strace s3  }
0xd: {  	s3 =	sld [smem:$0x3FFD];
	_ =	sdelay $0x3  }
0xe: {  	_ =	strace s3  }
0xf: {  	_ =	strace $0x8FFFFFFF  }
0x10: {  	s20 =	sld [smem:$0x3FDB];
	_ =	sdelay $0x1  }
0x11: {  	s4 =	simm.s32 $_scs_section_size  }
0x12: {  	s5 =	simm.s32 $_size__tile_overlayer_lowered;
	s6 =	simm.s32 $_tile_overlayer_lowered  }
0x13: {  	s23 =	simm.s32 $0x1BFF;
	s22 =	sshll.u32 s6, $0x1;
	s3 =	sadd.s32 s4, s20  }
0x14: {  	s7 =	simm.s32 $0x0;
	s21 =	sshll.u32 s5, $0x1;
	s5 =	sadd.s32 s22, s3  }
0x15: {  	[timem:s7], [sflag:s23] =	dma.local [hbm:s5], s21  }
0x16: {  	_ =	swait.ge [sflag:s23], s21  }
0x17: {  	s4 =	ssub.s32 $0x0, s21;
	[sflag:s23] =	ssyncset.done $0x0  }
0x18: {  	[sflag:s23] =	ssyncadd.s32 s4;
	_ =	sdelay $0x1  }
0x19: {  	s24 =	simm.s32 $0x1B8B  }
0x1a: {  	_ =	swait.ge [sflag:s24], $0x1  }
0x1b: {  	[sflag:s24] =	ssyncset.done $0x0  }
0x1c: {  	s26 =	simm.s32 $0x1B8E;
	s25 =	sld [smem:$0x3FFE];
	[sflag:s24] =	ssyncadd.s32 $0xFFFFFFFF  }
0x1d: {  	s27 =	simm.s32 $execute0_lowered;
	[smem:$0x3FD2] =	sst s26  }
0x1e: {  	s5 =	sshll.u32 s27, $0x1;
	_ =	strace $0x80000049;
	[dreg:$0x1] =	wrdreg $0xFFFFFFFF  }
0x1f: {  	s28 =	simm.s32 $_size_execute0_lowered;
	s3 =	sadd.s32 s3, s5;
	[dreg:$0x0] =	wrdreg $0x0  }
0x20: {  	s5 =	sshll.u32 s28, $0x1;
	[dreg:$0x2] =	wrdreg s3  }
0x21: {  	[dreg:$0x3] =	wrdreg s5  }
0x22: {  	[dreg:$0x4] =	wrdreg $0xC0  }
0x23: {  	_ =	task [dreg:s7], $0x5FFFF  }
0x24: {  	[dreg:$0x1] =	wrdreg $0xFFFFFFFF  }
0x25: {  	[dreg:$0x0] =	wrdreg $0x60  }
0x26: {  	[dreg:$0x2] =	wrdreg s25  }
0x27: {  	[dreg:$0x3] =	wrdreg s2  }
0x28: {  	[dreg:$0x4] =	wrdreg $0x9  }
0x29: {  	_ =	task.clear_ibuf [dreg:s7], $0x5FFFF;
	_ =	strace $0x90000049  }
0x2a: {  	s29 =	simm.s32 $0x9;
	_ =	strace $0x8000004B  }
0x2b: {  	_ =	swait.ge [sflag:s29], $0x1  }
0x2c: {  	[sflag:s29] =	ssyncadd.s32 $0xFFFFFFFF  }
0x2d: {  	_ =	strace $0x9000004B  }
0x2e: {  	_ =	sfence  }
0x2f: {  	s30 =	sld [smem:$0x0];
	_ =	sdelay $0x2  }
0x30: {  	s31 =	sshll.u32 s1, $0xD;
	s1 =	sshrl.u32 s1, $0x2  }
0x31: {  	s3 =	sand.u32 $0x4000, s31;
	s1 =	sadd.s32 s1, s30  }
0x32: {  	s0 =	sor.u32 s3, s0;
	s1 =	sshll.u32 s1, $0x11  }
0x33: {  	s0 =	sor.u32 s1, s0  }
0x34: {  	s0 =	sadd.s32 $0x8F2B, s0  }
0x35: {  	[sflag:s0] =	ssyncadd.remote.s32 $0x1  }
0x36: {  	_ =	sfence.sel $0xFFFF  }
0x37: {  	[dreg:$0x0] =	wrdreg $0xFFFFFFFF;
	(pc) =	sbr.abs _section_cstart, $3  }
0x38: {  	[dreg:$0x1] =	wrdreg $0xFFFFFFFF  }
0x39: {  	_ =	task.clear_ibuf [dreg:s7], $0x2FFFF;
	_ =	strace $0x9FFFFFFF  }
0x3a: {  	(tm) =	ssettm $0x7FFFFFFF  }
0x3b: {  	_ =	shalt  }
tec
execute0_lowered:
.L_overlay_start_1:
0x0: {  	(tag) =	ssettag $0x1  }
0x1: {  	s0 =	srdreg.scid  }
0x2: {  	s1 =	sshll.u32 s0, $0x4  }
0x3: {  	s0 =	stileid.u32;
	s1 =	sand.u32 $0x10, s1  }
0x4: {  	s1 =	sor.u32 s0, s1  }
0x5: {  	s6 =	rddreg [dreg:$0x0];
	s4 =	simm.s32 $0x1;
	s2 =	sshll.u32 s1, $0x7  }
0x6: {  	s7 =	simm.s32 $0x2;
	s12 =	simm.s32 $0x0;
	s1 =	ssub.s32 $0x1000, s2  }
0x7: {  	s8 =	simm.s32 $0x8000;
	s13 =	simm.s32 $0x0;
	s3 =	sand.u32 $0xF80, s1  }
0x8: {  	s9 =	simm.s32 $0x0;
	s5 =	sshrl.u32 s1, $0xC;
	p0 =	sne.s32 s3, $0x0  }
.Ltmp0:
0x9: {  	s1 =	rddreg [dreg:$0x2];
	s4 =	simm.s32 @!p0 $0x0;
	(pc) =	sbr.rel .LBB1_1-.Ltmp0, $4  }
0xa: {  	s11 =	simm.s32 $0x0;
	s3 =	rddreg [dreg:$0x1];
	s5 =	sadd.s32 s4, s5  }
0xb: {  	_ =	strace $0x8000004A;
	s4 =	simm.s32 $0x1;
	s5 =	smul.u32 $0xC8, s5  }
0xc: {  	s6 =	sadd.s32 $0xF42C00, s6;
	s10 =	smov.u32 s2;
	[sflag:s4] =	ssyncpa.u1 $0x0  }
0xd: {  	p0 =	por $0x0, $0x0;
	[sflag:s7] =	ssyncpa.u1 $0x0;
	s7 =	sor.u32 $0x1, s5  }
.LBB1_4:
0xe: {  	s16 =	sshll.u32 s13, $0x3;
	s17 =	sand.u32 $0x78, s13  }
0xf: {  	s30 =	sand.u32 $0x7E00, s13;
	s12 =	sshll.u32 s12, $0xF;
	s16 =	sand.u32 $0xC00, s16  }
0x10: {  	[tilespmem:s15+$0x810 ss:$0x81] =	vst.msk $0xffff, v2;
	s31 =	sand.u32 $0x7, s13;
	s16 =	sor.u32 s17, s16;
	s17 =	sadd.s32 s3, s30  }
0x11: {  	[tilespmem:s15+$0x1020 ss:$0x81] =	vst.msk $0xffff, v0;
	s13 =	sshll.u32 s31, $0x12;
	s12 =	sadd.s32 s12, s17;
	s16 =	sshrl.u32 s16, $0x3  }
0x12: {  	[tilespmem:s15+$0x0 ss:$0x81] =	vst.msk $0xffff, v1;
	s13 =	sor.u32 $0x400, s13;
	s12 =	sadd.s32 s16, s12  }
0x13: {  	[hbm4b:s12+s13] =	stream.strided.scatter [tilespmem:s14], [sflag:$0x2], $0x2000, s8, s13, $0x20;
	[tilespmem:$0x8080] =	vst v63  }
.LBB1_5:
0x14: {  	s14 =	sadd.s32 $0x1, s9  }
0x15: {  	s12 =	sadd.s32 $0x1000, s10;
	s16 =	smov.u32 s10;
	p2 =	sgt.s32 s14, $0xC7  }
0x16: {  	s16 =	smov.u32 @p2 s12  }
0x17: {  	s14 =	simm.s32 @p2 $0x0;
	p2 =	sgt.s32 s16, $0xFFF  }
0x18: {  	s16 =	smov.u32 @p2 s2;
	p2 =	sne.s32 s11, s7  }
.Ltmp1:
0x19: {  	p1 =	slt.u32 s11, $0x2;
	(pc) =	sbr.rel @!p2 .LBB1_6-.Ltmp1, $4  }
0x1a: {  	s15 =	simm.s32 @!p1 $0x2  }
0x1b: {  	s13 =	smov.u32 s10;
	p0 =	por !p0, !p0;
	_ =	swait.ge @!p1 [sflag:s15], $0x2000  }
0x1c: {  	s12 =	smov.u32 s9;
	[sflag:s15] =	ssyncset.done @!p1 $0x0;
	s9 =	smov.u32 s14  }
0x1d: {  	s11 =	sadd.s32 $0x1, s11;
	[sflag:s15] =	ssyncadd.s32 @!p1 $0xFFFFE000;
	s10 =	smov.u32 s16  }
.LBB1_1:
0x1e: {  	p1 =	sge.u32 s11, s5  }
0x1f: {  	s14 =	sand.u32 @!p1 $0x1FFFFFF, s9  }
0x20: {  	s15 =	smulhi.u32 @!p1 $0x147AE15, s14;
	_ =	sdelay $0x1  }
0x21: {  	s15 =	smul.u32 @!p1 $0xC8, s15  }
0x22: {  	s16 =	sxor.u32 @!p1 $0xFFFFFFFF, s11;
	s17 =	smul.u32 @!p1 $0xC80, s10  }
0x23: {  	s31 =	sadd.s32 $0xFFFFFFFF, s11;
	s16 =	sshll.u32 @!p1 s16, $0xD;
	s14 =	ssub.s32 @!p1 s14, s15  }
0x24: {  	s15 =	sand.u32 @!p1 $0x2000, s16;
	s16 =	sadd.s32 @!p1 s6, s17;
	s14 =	sshll.u32 @!p1 s14, $0x4  }
0x25: {  	s17 =	simm.s32 @!p1 $0x6400;
	s14 =	sadd.s32 @!p1 s14, s16;
	s16 =	simm.s32 @!p1 $0x40  }
0x26: {  	[tilespmem:s15], [sflag:$0x1] =	stream.strided.gather @!p1 [hbm4b:s14+s16], $0x2000, s17, s16, $0x38;
	[tilespmem:$0x8080] =	vst v63  }
0x27: {  	p1 =	sge.u32 s31, s5  }
.Ltmp2:
0x28: {  	_ = 	snop;
	(pc) =	sbr.rel @p1 .LBB1_5-.Ltmp2, $1  }
0x29: {  	_ =	sdelay $0x3  }
0x2a: {  	s14 =	simm.s32 $0x1  }
0x2b: {  	_ =	swait.ge [sflag:s4], $0x2000;
	s14 =	simm.s32 @!p0 $0x0  }
0x2c: {  	[sflag:s4] =	ssyncset.done $0x0;
	s15 =	sshll.u32 s14, $0xD  }
0x2d: {  	[sflag:s4] =	ssyncadd.s32 $0xFFFFE000;
	s18 =	sor.u32 $0x20, s15  }
0x2e: {  	s14 =	smul.u32 $0x8100, s14;
	v3 =	vld [tilespmem:s18+$0x10]  }
0x2f: {  	s30 =	sand.u32 $0x1, s11;
	v2 =	vld [tilespmem:s18+$0xFFFFFFF0]  }
0x30: {  	s15 =	smul.u32 $0x8100, s30;
	s14 =	sshrl.u32 s14, $0x2;
	v0 =	vld [tilespmem:s18+$0x0]  }
0x31: {  	v1 =	vld [tilespmem:s18+$0xFFFFFFE0];
	s16 =	sor.u32 $0x4000, s14  }
0x32: {  	s31 =	sshrl.u32 s15, $0x2;
	s15 =	sadd.s32 $0x0, s16  }
0x33: {  	s17 =	simm.s32 $0x4;
	s18 =	sadd.s32 $0x40, s18;
	s14 =	sor.u32 $0x4000, s31;
	[tilespmem:s15+$0x1830 ss:$0x81] =	vst.msk $0xffff, v3  }
.LBB1_3:
0x34: {  	v3 =	vld [tilespmem:s18+$0x10];
	p1 =	sne.s32 s17, $0x1FC;
	[tilespmem:s15+$0x810 ss:$0x81] =	vst.msk $0xffff, v2;
	s19 =	smov.u32 s17;
	s17 =	sadd.s32 $0x4, s17  }
.Ltmp3:
0x35: {  	v2 =	vld [tilespmem:s18+$0xFFFFFFF0];
	[tilespmem:s15+$0x1020 ss:$0x81] =	vst.msk $0xffff, v0;
	(pc) =	sbr.rel @p1 .LBB1_3-.Ltmp3, $4  }
0x36: {  	v0 =	vld [tilespmem:s18+$0x0];
	[tilespmem:s15+$0x0 ss:$0x81] =	vst.msk $0xffff, v1  }
0x37: {  	s15 =	sshra.s32 s19, $0x2;
	v1 =	vld [tilespmem:s18+$0xFFFFFFE0]  }
0x38: {  	s15 =	sadd.s32 s15, s16  }
0x39: {  	s18 =	sadd.s32 $0x40, s18;
	[tilespmem:s15+$0x1830 ss:$0x81] =	vst.msk $0xffff, v3  }
.Ltmp4:
0x3a: {  	_ = 	snop;
	(pc) =	sbr.rel .LBB1_4-.Ltmp4, $1  }
0x3b: {  	_ =	sdelay $0x3  }
.LBB1_6:
0x3c: {  	_ =	sfence.sel $0x180000  }
0x3d: {  	s2 =	simm.s32 $0x1;
	[bflag:$0x0] =	sbarrier.arrive $0xFFFF  }
0x3e: {  	s31 =	simm.s32 $0x2;
	[sflag:s2] =	ssyncpa.u1 $0x1  }
0x3f: {  	[sflag:s31] =	ssyncpa.u1 $0x1  }
0x40: {  	p0 =	sne.s32 s0, $0x0;
	_ =	strace $0x9000004A  }
0x41: {  	s0 =	sadd.s32 @!p0 $0x100000, s1;
	[bflag:$0x2] =	sbarrier.arrive $0xFFFF  }
0x42: {  	[sflag:s0] =	ssyncadd.tile.s32 @!p0 $0x1;
	_ =	shalt  }
.Lfunc_end1:
_tile_overlayer_lowered:
.L_overlay_start_2:
0x43: {  	(tag) =	ssettag $0x2  }
0x44: {  	s0 =	rddreg [dreg:$0x0];
	s2 =	stileid.u32  }
0x45: {  	s1 =	rddreg [dreg:$0x1];
	p0 =	sne.s32 s2, $0x0  }
0x46: {  	s3 =	rddreg [dreg:$0x2];
	[bflag:$0x3] =	sbarrier.arrive $0xFFFF;
	s2 =	simm.s32 @!p0 $0x1C01  }
0x47: {  	[timem:s3], [sflag:s2] =	dma.local @!p0 [hbm:s0], s1  }
0x48: {  	s0 =	simm.s32 @!p0 $0x1  }
0x49: {  	_ =	swait.ge @!p0 [sflag:s0], s1  }
0x4a: {  	s1 =	ssub.s32 @!p0 $0x0, s1;
	[sflag:s0] =	ssyncset.done @!p0 $0x0  }
0x4b: {  	[sflag:s0] =	ssyncadd.s32 @!p0 s1  }
0x4c: {  	[bflag:$0x3] =	sbarrier.arrive $0xFFFF  }
0x4d: {  	_ =	shalt  }

</sc_bundles>
